<compile_context>
chip_gen: v7x
topology: tpu7x:2x2x1
jax: 0.10.2.dev20260603
libtpu: 0.0.44.dev20260713+nightly
codegen_flags: <defaults>
</compile_context>

<pallas_src>
import functools

import jax
import jax.numpy as jnp
from jax import lax
from jax.experimental import pallas as pl
from jax.experimental.pallas import tpu as pltpu
from jax.experimental.pallas import tpu_sc as plsc

N = 10000
E = 320000
D = 128
ROWS = 1000

NC = 2
NS = 16
NW = NC * NS
NP = 10240
EPW = E // NW
DEG_CHUNK = 2000


def _deg_body(dst_hbm, out_hbm, dstv, hist):
    wid = lax.axis_index("s") * NC + lax.axis_index("c")
    zeros = jnp.zeros((16,), jnp.float32)
    ones = jnp.ones((16,), jnp.float32)

    def zero_body(i, _):
        hist[pl.ds(i * 16, 16)] = zeros
        return 0

    lax.fori_loop(0, NP // 16, zero_body, 0)

    base = wid * EPW
    for c in range(EPW // DEG_CHUNK):
        pltpu.sync_copy(dst_hbm.at[pl.ds(base + c * DEG_CHUNK, DEG_CHUNK)], dstv)

        def scat_body(j, _):
            idx = dstv[pl.ds(j * 16, 16)]
            plsc.addupdate_scatter(hist, [idx], ones)
            return 0

        lax.fori_loop(0, DEG_CHUNK // 16, scat_body, 0)
    pltpu.sync_copy(hist, out_hbm.at[wid])


_deg_kernel = functools.partial(
    pl.kernel,
    out_type=jax.ShapeDtypeStruct((NW, NP), jnp.float32),
    mesh=plsc.VectorSubcoreMesh(core_axis_name="c", subcore_axis_name="s"),
    scratch_types=[
        pltpu.VMEM((DEG_CHUNK,), jnp.int32),
        pltpu.VMEM((NP,), jnp.float32),
    ],
    compiler_params=pltpu.CompilerParams(needs_layout_passes=False),
)(_deg_body)


EK = 80
ECHUNKS = EPW // EK
ZROWS = 128
SPN = NP // NS


RB = 3
IRB = 6


def _edge_body(hh_hbm, src_hbm, dst_hbm, out_hbm, refs, agg, semas):
    cid = lax.axis_index("c")
    sid = lax.axis_index("s")
    wid = sid * NC + cid
    sidx = refs[:IRB]
    didx = refs[IRB:2 * IRB]
    rows = refs[2 * IRB:]
    semg = semas[:RB]
    sems = semas[RB:2 * RB]
    semi = semas[2 * RB:]
    zeros = jnp.zeros((16,), jnp.float32)
    ebase = wid * EPW

    def zb_body(i, _):
        for j in range(D // 16):
            rows[0][i, pl.ds(j * 16, 16)] = zeros
        return 0

    lax.fori_loop(0, EK, zb_body, 0)
    r0 = sid * SPN
    for t in range(SPN // EK):
        pltpu.sync_copy(rows[0], agg.at[pl.ds(r0 + t * EK, EK)])
    plsc.subcore_barrier()

    def idx_load(c, k8, sem):
        off = ebase + c * EK
        pltpu.async_copy(src_hbm.at[pl.ds(off, EK)], sidx[k8], sem)
        pltpu.async_copy(dst_hbm.at[pl.ds(off, EK)], didx[k8], sem)

    def idx_wait(k8):
        pltpu.make_async_copy(src_hbm.at[pl.ds(ebase, EK)], sidx[k8],
                              semi[k8]).wait()
        pltpu.make_async_copy(dst_hbm.at[pl.ds(ebase, EK)], didx[k8],
                              semi[k8]).wait()

    pltpu.sync_copy(src_hbm.at[pl.ds(ebase, EK)], sidx[0])
    pltpu.sync_copy(dst_hbm.at[pl.ds(ebase, EK)], didx[0])
    pltpu.sync_copy(src_hbm.at[pl.ds(ebase + EK, EK)], sidx[1])
    pltpu.sync_copy(dst_hbm.at[pl.ds(ebase + EK, EK)], didx[1])
    idx_load(2, 2, semi[2])
    idx_load(3, 3, semi[3])
    pltpu.async_copy(hh_hbm.at[sidx[0]], rows[0], semg[0])
    pltpu.async_copy(hh_hbm.at[sidx[1]], rows[1], semg[1])

    def chunk_body(c, _):
        def step(k8):
            k = k8 % RB
            k2 = (k8 + 2) % RB
            k82 = (k8 + 2) % IRB
            k84 = (k8 + 4) % IRB
            pltpu.make_async_copy(hh_hbm.at[sidx[k8]], rows[k],
                                  semg[k]).wait()
            pltpu.async_copy(rows[k], agg.at[didx[k8]], sems[k], add=True)

            @pl.when(c >= RB - 2)
            def _():
                pltpu.make_async_copy(rows[k2], agg.at[didx[k8]],
                                      sems[k2]).wait()

            @pl.when(c + 2 < ECHUNKS)
            def _():
                idx_wait(k82)
                pltpu.async_copy(hh_hbm.at[sidx[k82]], rows[k2], semg[k2])

            @pl.when(c + 4 < ECHUNKS)
            def _():
                idx_load(c + 4, k84, semi[k84])

        for k8 in range(IRB):
            @pl.when(c % IRB == k8)
            def _(k8=k8):
                step(k8)

        return 0

    lax.fori_loop(0, ECHUNKS, chunk_body, 0)
    for j in range(RB - 2):
        pltpu.make_async_copy(rows[(ECHUNKS - 1 - j) % RB], agg.at[didx[0]],
                              sems[(ECHUNKS - 1 - j) % RB]).wait()
    plsc.subcore_barrier()
    for t in range(SPN // EK):
        pltpu.sync_copy(agg.at[pl.ds(r0 + t * EK, EK)],
                        out_hbm.at[cid, pl.ds(r0 + t * EK, EK)])


_edge_kernel = functools.partial(
    pl.kernel,
    out_type=jax.ShapeDtypeStruct((NC, NP, D), jnp.float32),
    mesh=plsc.VectorSubcoreMesh(core_axis_name="c", subcore_axis_name="s"),
    scratch_types=[
        [pltpu.VMEM((EK,), jnp.int32)] * (2 * IRB)
        + [pltpu.VMEM((EK, D), jnp.float32)] * RB,
        pltpu.VMEM_SHARED((NP, D), jnp.float32),
        [pltpu.SemaphoreType.DMA] * (2 * RB + IRB),
    ],
    compiler_params=pltpu.CompilerParams(needs_layout_passes=False),
)(_edge_body)


def _pre_body(x_ref, w1_ref, b1_ref, W_ref, dinv_ref, hh_ref):
    xb = x_ref[...]
    mean = jnp.mean(xb, axis=1, keepdims=True)
    cen = xb - mean
    var = jnp.mean(cen * cen, axis=1, keepdims=True)
    h1 = cen * jax.lax.rsqrt(var + 1e-5) * w1_ref[...] + b1_ref[...]
    h = jnp.dot(h1, W_ref[...], preferred_element_type=jnp.float32)
    hh_ref[...] = h * dinv_ref[...]


def _tc_pre(x, ln1_w, ln1_b, gcn_W, dinv_col):
    grid = (N // ROWS,)
    return pl.pallas_call(
        _pre_body,
        grid=grid,
        in_specs=[
            pl.BlockSpec((ROWS, D), lambda i: (i, 0)),
            pl.BlockSpec((D,), lambda i: (0,)),
            pl.BlockSpec((D,), lambda i: (0,)),
            pl.BlockSpec((D, D), lambda i: (0, 0)),
            pl.BlockSpec((ROWS, 1), lambda i: (i, 0)),
        ],
        out_specs=pl.BlockSpec((ROWS, D), lambda i: (i, 0)),
        out_shape=jax.ShapeDtypeStruct((N, D), jnp.float32),
    )(x, ln1_w, ln1_b, gcn_W, dinv_col)


def _post_body(x_ref, hh_ref, a0_ref, a1_ref, dinv_ref, gb_ref, s1_ref,
               w2_ref, b2_ref, ffW_ref, ffb_ref, s2_ref, out_ref):
    agg = a0_ref[0] + a1_ref[0] + hh_ref[...]
    m = agg * dinv_ref[...] + gb_ref[...]
    m = m * jax.nn.sigmoid(m)
    x1 = x_ref[...] + s1_ref[0, 0] * m
    mean = jnp.mean(x1, axis=1, keepdims=True)
    cen = x1 - mean
    var = jnp.mean(cen * cen, axis=1, keepdims=True)
    h2 = cen * jax.lax.rsqrt(var + 1e-5) * w2_ref[...] + b2_ref[...]
    f = jnp.dot(h2, ffW_ref[...], preferred_element_type=jnp.float32) + ffb_ref[...]
    f = f * jax.nn.sigmoid(f)
    out_ref[...] = x1 + s2_ref[0, 0] * f


def _tc_post(x, hh, aggs, dinv_col, gcn_b, alpha1, ln2_w, ln2_b,
             ff_W, ff_b, alpha2):
    grid = (N // ROWS,)
    row = lambda i: (i, 0)
    vec = lambda i: (0,)
    smem = pl.BlockSpec(memory_space=pltpu.SMEM)
    return pl.pallas_call(
        _post_body,
        grid=grid,
        in_specs=[
            pl.BlockSpec((ROWS, D), row),
            pl.BlockSpec((ROWS, D), row),
            pl.BlockSpec((1, ROWS, D), lambda i: (0, i, 0)),
            pl.BlockSpec((1, ROWS, D), lambda i: (1, i, 0)),
            pl.BlockSpec((ROWS, 1), row),
            pl.BlockSpec((D,), vec),
            smem,
            pl.BlockSpec((D,), vec),
            pl.BlockSpec((D,), vec),
            pl.BlockSpec((D, D), lambda i: (0, 0)),
            pl.BlockSpec((D,), vec),
            smem,
        ],
        out_specs=pl.BlockSpec((ROWS, D), row),
        out_shape=jax.ShapeDtypeStruct((N, D), jnp.float32),
    )(x, hh, aggs, aggs, dinv_col, gcn_b, alpha1.reshape(1, 1), ln2_w,
      ln2_b, ff_W, ff_b, alpha2.reshape(1, 1))


def kernel(x, edge_index, ln1_w, ln1_b, gcn_W, gcn_b, alpha1, alpha2,
           ln2_w, ln2_b, ff_W, ff_b):
    src = edge_index[0]
    dst = edge_index[1]
    deg_parts = _deg_kernel(dst)
    deg = deg_parts.sum(axis=0)[:N] + 1.0
    dinv_col = jax.lax.rsqrt(deg).reshape(N, 1)
    hh = _tc_pre(x, ln1_w, ln1_b, gcn_W, dinv_col)
    aggs = _edge_kernel(hh, src, dst)
    return _tc_post(x, hh, aggs, dinv_col, gcn_b, alpha1, ln2_w,
                    ln2_b, ff_W, ff_b, alpha2)

# --- scband reference (transcript-rebuilt; emitter-appended) ---
"""Pipeline reference for scband-smpnnblock-14731737825825 (READ-ONLY COPY).

The authoritative reference and input builder live on the scoring server;
editing this copy changes nothing except your own understanding.
"""

import jax, jax.numpy as jnp
import numpy as np

N = 10000
E = 320000
D = 128


def layer_norm(x, w, b, eps=1e-5):
    mean = jnp.mean(x, axis=-1, keepdims=True)
    var = jnp.mean((x - mean) ** 2, axis=-1, keepdims=True)
    return (x - mean) / jnp.sqrt(var + eps) * w + b


def gcn_conv(x, edge_index, W, b):
    # PyG GCNConv with normalize=True, add_self_loops=True
    n = x.shape[0]
    src = edge_index[0]
    dst = edge_index[1]
    loop = jnp.arange(n, dtype=edge_index.dtype)
    src = jnp.concatenate([src, loop])
    dst = jnp.concatenate([dst, loop])
    ew = jnp.ones(src.shape[0], dtype=x.dtype)
    deg = jnp.zeros((n,), dtype=x.dtype).at[dst].add(ew)
    dinv = jnp.where(deg > 0, deg ** -0.5, 0.0)
    norm = dinv[src] * ew * dinv[dst]
    h = x @ W  # linear (no bias inside lin)
    msg = h[src] * norm[:, None]
    out = jnp.zeros((n, h.shape[1]), dtype=x.dtype).at[dst].add(msg)
    return out + b


def setup_inputs(seed: int = 0) -> dict:
    key = jax.random.key(seed)
    ks = jax.random.split(key, 6)
    x = jax.random.normal(ks[0], (N, D), dtype=jnp.float32)
    edge_index = jax.random.randint(ks[1], (2, E), 0, N, dtype=jnp.int32)
    ln1_w = jnp.ones((D,), dtype=jnp.float32)
    ln1_b = jnp.zeros((D,), dtype=jnp.float32)
    gcn_W = jax.random.normal(ks[2], (D, D), dtype=jnp.float32) * (1.0 / np.sqrt(D))
    gcn_b = jnp.zeros((D,), dtype=jnp.float32)
    alpha1 = jnp.asarray(1e-7, dtype=jnp.float32)
    alpha2 = jnp.asarray(1e-7, dtype=jnp.float32)
    ln2_w = jnp.ones((D,), dtype=jnp.float32)
    ln2_b = jnp.zeros((D,), dtype=jnp.float32)
    ff_W = jax.random.normal(ks[3], (D, D), dtype=jnp.float32) * (1.0 / np.sqrt(D))
    ff_b = jnp.zeros((D,), dtype=jnp.float32)
    return {
        "x": x,
        "edge_index": edge_index,
        "ln1_w": ln1_w,
        "ln1_b": ln1_b,
        "gcn_W": gcn_W,
        "gcn_b": gcn_b,
        "alpha1": alpha1,
        "alpha2": alpha2,
        "ln2_w": ln2_w,
        "ln2_b": ln2_b,
        "ff_W": ff_W,
        "ff_b": ff_b,
    }


def reference(x, edge_index, ln1_w, ln1_b, gcn_W, gcn_b, alpha1, alpha2, ln2_w, ln2_b, ff_W, ff_b):
    # Pre-LN -> GCN -> SiLU -> scaled residual
    h1 = layer_norm(x, ln1_w, ln1_b)
    m = gcn_conv(h1, edge_index, gcn_W, gcn_b)
    m = jax.nn.silu(m)
    x1 = x + alpha1 * m  # res_proj is Identity since in_channels == out_channels
    # Pre-LN -> FF(SiLU) -> scaled residual
    h2 = layer_norm(x1, ln2_w, ln2_b)
    f = jax.nn.silu(h2 @ ff_W + ff_b)
    x2 = x1 + alpha2 * f
    return x2

if __name__ == "__main__":
    import jax
    _d = setup_inputs()
    print(jax.jit(kernel)(*tuple(_d.values())))

</pallas_src>

<mosaic_0001>
#map = affine_map<(d0, d1) -> (0)>
#map1 = affine_map<(d0, d1) -> (0, 0)>
module attributes {stable_mosaic.version = 14 : i64} {
  func.func @_deg_body(%arg0: i32, %arg1: i32, %arg2: memref<320000xi32, #tpu.memory_space<hbm>>, %arg3: memref<32x10240xf32, #tpu.memory_space<hbm>>, %arg4: memref<2000xi32, #tpu.memory_space<vmem>>, %arg5: memref<10240xf32, #tpu.memory_space<vmem>>) attributes {dimension_semantics = [#tpu.dimension_semantics<core_parallel>, #tpu.dimension_semantics<subcore_parallel>], iteration_bounds = array<i64: 2, 16>, scalar_prefetch = 0 : i64, scratch_operands = 2 : i64, tpu.core_type = #tpu.core_type<sc_vector_subcore>, window_params = [{transform_indices = #map}, {transform_indices = #map1}]} {
    %mul3A = arith.constant 2 : i32
    %mul3A_0 = arith.muli %arg1, %mul3A : i32
    %add3A = arith.addi %mul3A_0, %arg0 : i32
    %broadcast_in_dim3A = arith.constant 0.000000e+00 : f32
    %broadcast_in_dim3A_1 = vector.broadcast %broadcast_in_dim3A : f32 to vector<16xf32>
    %broadcast_in_dim3A_2 = arith.constant 1.000000e+00 : f32
    %broadcast_in_dim3A_3 = vector.broadcast %broadcast_in_dim3A_2 : f32 to vector<16xf32>
    %scan3A = arith.constant 0 : i32
    %scan3A_4 = arith.constant 0 : i32
    %scan3A_5 = arith.constant 640 : i32
    %scan3A_6 = arith.addi %scan3A_4, %scan3A_5 : i32
    %scan3A_7 = arith.constant 1 : i32
    %scan3A_8 = scf.for %scan3A_57 = %scan3A_4 to %scan3A_6 step %scan3A_7 iter_args(%scan3A_58 = %scan3A) -> (i32)  : i32 {
      %mul3A_59 = arith.constant 16 : i32
      %mul3A_60 = arith.muli %scan3A_57, %mul3A_59 : i32
      %swap3A = arith.index_cast %mul3A_60 : i32 to index
      %swap3A_61 = tpu.vector_load %arg5[%swap3A] {strides = array<i32>} : memref<10240xf32, #tpu.memory_space<vmem>>, vector<16xf32>,
      tpu.vector_store %arg5[%swap3A], %broadcast_in_dim3A_1 {strides = array<i32>} : memref<10240xf32, #tpu.memory_space<vmem>>, vector<16xf32>,
      %scan3A_62 = arith.constant 0 : i32
      scf.yield %scan3A_62 : i32
    }
    %scan3A_9 = arith.constant 640 : i32
    %mul3A_10 = arith.constant 10000 : i32
    %mul3A_11 = arith.muli %add3A, %mul3A_10 : i32
    %add3A_12 = arith.constant 0 : i32
    %add3A_13 = arith.addi %mul3A_11, %add3A_12 : i32
    "tpu.region"() ({
      %run_scoped3A = tpu.sem_alloc : memref<!tpu.dma_semaphore, #tpu.memory_space<semaphore_mem>>
      %dma_start3A = tpu.memref_slice %arg2[%add3A_13] : memref<320000xi32, #tpu.memory_space<hbm>> -> memref<2000xi32, #tpu.memory_space<hbm>>
      %dma_start3A_57 = tpu.memref_slice %arg2[%add3A_13] : memref<320000xi32, #tpu.memory_space<hbm>> -> memref<2000xi32, #tpu.memory_space<hbm>>
      tpu.enqueue_dma source(%dma_start3A_57 : memref<2000xi32, #tpu.memory_space<hbm>>) target(%arg4 : memref<2000xi32, #tpu.memory_space<vmem>>) target_semaphore(%run_scoped3A : memref<!tpu.dma_semaphore, #tpu.memory_space<semaphore_mem>>)
      %dma_wait3A = tpu.memref_slice %arg2[%add3A_13] : memref<320000xi32, #tpu.memory_space<hbm>> -> memref<2000xi32, #tpu.memory_space<hbm>>
      %dma_wait3A_58 = tpu.memref_slice %arg2[%add3A_13] : memref<320000xi32, #tpu.memory_space<hbm>> -> memref<2000xi32, #tpu.memory_space<hbm>>
      tpu.wait_dma2 semaphore(%run_scoped3A : memref<!tpu.dma_semaphore, #tpu.memory_space<semaphore_mem>>) src(%dma_wait3A_58 : memref<2000xi32, #tpu.memory_space<hbm>>) dst(%arg4 : memref<2000xi32, #tpu.memory_space<vmem>>)
      tpu.yield
    }) : () -> ()
    %scan3A_14 = arith.constant 0 : i32
    %scan3A_15 = arith.constant 0 : i32
    %scan3A_16 = arith.constant 125 : i32
    %scan3A_17 = arith.addi %scan3A_15, %scan3A_16 : i32
    %scan3A_18 = arith.constant 1 : i32
    %scan3A_19 = scf.for %scan3A_57 = %scan3A_15 to %scan3A_17 step %scan3A_18 iter_args(%scan3A_58 = %scan3A_14) -> (i32)  : i32 {
      %mul3A_59 = arith.constant 16 : i32
      %mul3A_60 = arith.muli %scan3A_57, %mul3A_59 : i32
      %get3A = arith.index_cast %mul3A_60 : i32 to index
      %get3A_61 = tpu.vector_load %arg4[%get3A] {strides = array<i32>} : memref<2000xi32, #tpu.memory_space<vmem>>, vector<16xi32>,
      tpu.vector_store_idx %arg5[%get3A_61], %broadcast_in_dim3A_3 {add = true} : memref<10240xf32, #tpu.memory_space<vmem>>[vector<16xi32>], vector<16xf32>,
      %scan3A_62 = arith.constant 0 : i32
      scf.yield %scan3A_62 : i32
    }
    %scan3A_20 = arith.constant 125 : i32
    %add3A_21 = arith.constant 2000 : i32
    %add3A_22 = arith.addi %mul3A_11, %add3A_21 : i32
    "tpu.region"() ({
      %run_scoped3A = tpu.sem_alloc : memref<!tpu.dma_semaphore, #tpu.memory_space<semaphore_mem>>
      %dma_start3A = tpu.memref_slice %arg2[%add3A_22] : memref<320000xi32, #tpu.memory_space<hbm>> -> memref<2000xi32, #tpu.memory_space<hbm>>
      %dma_start3A_57 = tpu.memref_slice %arg2[%add3A_22] : memref<320000xi32, #tpu.memory_space<hbm>> -> memref<2000xi32, #tpu.memory_space<hbm>>
      tpu.enqueue_dma source(%dma_start3A_57 : memref<2000xi32, #tpu.memory_space<hbm>>) target(%arg4 : memref<2000xi32, #tpu.memory_space<vmem>>) target_semaphore(%run_scoped3A : memref<!tpu.dma_semaphore, #tpu.memory_space<semaphore_mem>>)
      %dma_wait3A = tpu.memref_slice %arg2[%add3A_22] : memref<320000xi32, #tpu.memory_space<hbm>> -> memref<2000xi32, #tpu.memory_space<hbm>>
      %dma_wait3A_58 = tpu.memref_slice %arg2[%add3A_22] : memref<320000xi32, #tpu.memory_space<hbm>> -> memref<2000xi32, #tpu.memory_space<hbm>>
      tpu.wait_dma2 semaphore(%run_scoped3A : memref<!tpu.dma_semaphore, #tpu.memory_space<semaphore_mem>>) src(%dma_wait3A_58 : memref<2000xi32, #tpu.memory_space<hbm>>) dst(%arg4 : memref<2000xi32, #tpu.memory_space<vmem>>)
      tpu.yield
    }) : () -> ()
    %scan3A_23 = arith.constant 0 : i32
    %scan3A_24 = arith.constant 0 : i32
    %scan3A_25 = arith.constant 125 : i32
    %scan3A_26 = arith.addi %scan3A_24, %scan3A_25 : i32
    %scan3A_27 = arith.constant 1 : i32
    %scan3A_28 = scf.for %scan3A_57 = %scan3A_24 to %scan3A_26 step %scan3A_27 iter_args(%scan3A_58 = %scan3A_23) -> (i32)  : i32 {
      %mul3A_59 = arith.constant 16 : i32
      %mul3A_60 = arith.muli %scan3A_57, %mul3A_59 : i32
      %get3A = arith.index_cast %mul3A_60 : i32 to index
      %get3A_61 = tpu.vector_load %arg4[%get3A] {strides = array<i32>} : memref<2000xi32, #tpu.memory_space<vmem>>, vector<16xi32>,
      tpu.vector_store_idx %arg5[%get3A_61], %broadcast_in_dim3A_3 {add = true} : memref<10240xf32, #tpu.memory_space<vmem>>[vector<16xi32>], vector<16xf32>,
      %scan3A_62 = arith.constant 0 : i32
      scf.yield %scan3A_62 : i32
    }
    %scan3A_29 = arith.constant 125 : i32
    %add3A_30 = arith.constant 4000 : i32
    %add3A_31 = arith.addi %mul3A_11, %add3A_30 : i32
    "tpu.region"() ({
      %run_scoped3A = tpu.sem_alloc : memref<!tpu.dma_semaphore, #tpu.memory_space<semaphore_mem>>
      %dma_start3A = tpu.memref_slice %arg2[%add3A_31] : memref<320000xi32, #tpu.memory_space<hbm>> -> memref<2000xi32, #tpu.memory_space<hbm>>
      %dma_start3A_57 = tpu.memref_slice %arg2[%add3A_31] : memref<320000xi32, #tpu.memory_space<hbm>> -> memref<2000xi32, #tpu.memory_space<hbm>>
      tpu.enqueue_dma source(%dma_start3A_57 : memref<2000xi32, #tpu.memory_space<hbm>>) target(%arg4 : memref<2000xi32, #tpu.memory_space<vmem>>) target_semaphore(%run_scoped3A : memref<!tpu.dma_semaphore, #tpu.memory_space<semaphore_mem>>)
      %dma_wait3A = tpu.memref_slice %arg2[%add3A_31] : memref<320000xi32, #tpu.memory_space<hbm>> -> memref<2000xi32, #tpu.memory_space<hbm>>
      %dma_wait3A_58 = tpu.memref_slice %arg2[%add3A_31] : memref<320000xi32, #tpu.memory_space<hbm>> -> memref<2000xi32, #tpu.memory_space<hbm>>
      tpu.wait_dma2 semaphore(%run_scoped3A : memref<!tpu.dma_semaphore, #tpu.memory_space<semaphore_mem>>) src(%dma_wait3A_58 : memref<2000xi32, #tpu.memory_space<hbm>>) dst(%arg4 : memref<2000xi32, #tpu.memory_space<vmem>>)
      tpu.yield
    }) : () -> ()
    %scan3A_32 = arith.constant 0 : i32
    %scan3A_33 = arith.constant 0 : i32
    %scan3A_34 = arith.constant 125 : i32
    %scan3A_35 = arith.addi %scan3A_33, %scan3A_34 : i32
    %scan3A_36 = arith.constant 1 : i32
    %scan3A_37 = scf.for %scan3A_57 = %scan3A_33 to %scan3A_35 step %scan3A_36 iter_args(%scan3A_58 = %scan3A_32) -> (i32)  : i32 {
      %mul3A_59 = arith.constant 16 : i32
      %mul3A_60 = arith.muli %scan3A_57, %mul3A_59 : i32
      %get3A = arith.index_cast %mul3A_60 : i32 to index
      %get3A_61 = tpu.vector_load %arg4[%get3A] {strides = array<i32>} : memref<2000xi32, #tpu.memory_space<vmem>>, vector<16xi32>,
      tpu.vector_store_idx %arg5[%get3A_61], %broadcast_in_dim3A_3 {add = true} : memref<10240xf32, #tpu.memory_space<vmem>>[vector<16xi32>], vector<16xf32>,
      %scan3A_62 = arith.constant 0 : i32
      scf.yield %scan3A_62 : i32
    }
    %scan3A_38 = arith.constant 125 : i32
    %add3A_39 = arith.constant 6000 : i32
    %add3A_40 = arith.addi %mul3A_11, %add3A_39 : i32
    "tpu.region"() ({
      %run_scoped3A = tpu.sem_alloc : memref<!tpu.dma_semaphore, #tpu.memory_space<semaphore_mem>>
      %dma_start3A = tpu.memref_slice %arg2[%add3A_40] : memref<320000xi32, #tpu.memory_space<hbm>> -> memref<2000xi32, #tpu.memory_space<hbm>>
      %dma_start3A_57 = tpu.memref_slice %arg2[%add3A_40] : memref<320000xi32, #tpu.memory_space<hbm>> -> memref<2000xi32, #tpu.memory_space<hbm>>
      tpu.enqueue_dma source(%dma_start3A_57 : memref<2000xi32, #tpu.memory_space<hbm>>) target(%arg4 : memref<2000xi32, #tpu.memory_space<vmem>>) target_semaphore(%run_scoped3A : memref<!tpu.dma_semaphore, #tpu.memory_space<semaphore_mem>>)
      %dma_wait3A = tpu.memref_slice %arg2[%add3A_40] : memref<320000xi32, #tpu.memory_space<hbm>> -> memref<2000xi32, #tpu.memory_space<hbm>>
      %dma_wait3A_58 = tpu.memref_slice %arg2[%add3A_40] : memref<320000xi32, #tpu.memory_space<hbm>> -> memref<2000xi32, #tpu.memory_space<hbm>>
      tpu.wait_dma2 semaphore(%run_scoped3A : memref<!tpu.dma_semaphore, #tpu.memory_space<semaphore_mem>>) src(%dma_wait3A_58 : memref<2000xi32, #tpu.memory_space<hbm>>) dst(%arg4 : memref<2000xi32, #tpu.memory_space<vmem>>)
      tpu.yield
    }) : () -> ()
    %scan3A_41 = arith.constant 0 : i32
    %scan3A_42 = arith.constant 0 : i32
    %scan3A_43 = arith.constant 125 : i32
    %scan3A_44 = arith.addi %scan3A_42, %scan3A_43 : i32
    %scan3A_45 = arith.constant 1 : i32
    %scan3A_46 = scf.for %scan3A_57 = %scan3A_42 to %scan3A_44 step %scan3A_45 iter_args(%scan3A_58 = %scan3A_41) -> (i32)  : i32 {
      %mul3A_59 = arith.constant 16 : i32
      %mul3A_60 = arith.muli %scan3A_57, %mul3A_59 : i32
      %get3A = arith.index_cast %mul3A_60 : i32 to index
      %get3A_61 = tpu.vector_load %arg4[%get3A] {strides = array<i32>} : memref<2000xi32, #tpu.memory_space<vmem>>, vector<16xi32>,
      tpu.vector_store_idx %arg5[%get3A_61], %broadcast_in_dim3A_3 {add = true} : memref<10240xf32, #tpu.memory_space<vmem>>[vector<16xi32>], vector<16xf32>,
      %scan3A_62 = arith.constant 0 : i32
      scf.yield %scan3A_62 : i32
    }
    %scan3A_47 = arith.constant 125 : i32
    %add3A_48 = arith.constant 8000 : i32
    %add3A_49 = arith.addi %mul3A_11, %add3A_48 : i32
    "tpu.region"() ({
      %run_scoped3A = tpu.sem_alloc : memref<!tpu.dma_semaphore, #tpu.memory_space<semaphore_mem>>
      %dma_start3A = tpu.memref_slice %arg2[%add3A_49] : memref<320000xi32, #tpu.memory_space<hbm>> -> memref<2000xi32, #tpu.memory_space<hbm>>
      %dma_start3A_57 = tpu.memref_slice %arg2[%add3A_49] : memref<320000xi32, #tpu.memory_space<hbm>> -> memref<2000xi32, #tpu.memory_space<hbm>>
      tpu.enqueue_dma source(%dma_start3A_57 : memref<2000xi32, #tpu.memory_space<hbm>>) target(%arg4 : memref<2000xi32, #tpu.memory_space<vmem>>) target_semaphore(%run_scoped3A : memref<!tpu.dma_semaphore, #tpu.memory_space<semaphore_mem>>)
      %dma_wait3A = tpu.memref_slice %arg2[%add3A_49] : memref<320000xi32, #tpu.memory_space<hbm>> -> memref<2000xi32, #tpu.memory_space<hbm>>
      %dma_wait3A_58 = tpu.memref_slice %arg2[%add3A_49] : memref<320000xi32, #tpu.memory_space<hbm>> -> memref<2000xi32, #tpu.memory_space<hbm>>
      tpu.wait_dma2 semaphore(%run_scoped3A : memref<!tpu.dma_semaphore, #tpu.memory_space<semaphore_mem>>) src(%dma_wait3A_58 : memref<2000xi32, #tpu.memory_space<hbm>>) dst(%arg4 : memref<2000xi32, #tpu.memory_space<vmem>>)
      tpu.yield
    }) : () -> ()
    %scan3A_50 = arith.constant 0 : i32
    %scan3A_51 = arith.constant 0 : i32
    %scan3A_52 = arith.constant 125 : i32
    %scan3A_53 = arith.addi %scan3A_51, %scan3A_52 : i32
    %scan3A_54 = arith.constant 1 : i32
    %scan3A_55 = scf.for %scan3A_57 = %scan3A_51 to %scan3A_53 step %scan3A_54 iter_args(%scan3A_58 = %scan3A_50) -> (i32)  : i32 {
      %mul3A_59 = arith.constant 16 : i32
      %mul3A_60 = arith.muli %scan3A_57, %mul3A_59 : i32
      %get3A = arith.index_cast %mul3A_60 : i32 to index
      %get3A_61 = tpu.vector_load %arg4[%get3A] {strides = array<i32>} : memref<2000xi32, #tpu.memory_space<vmem>>, vector<16xi32>,
      tpu.vector_store_idx %arg5[%get3A_61], %broadcast_in_dim3A_3 {add = true} : memref<10240xf32, #tpu.memory_space<vmem>>[vector<16xi32>], vector<16xf32>,
      %scan3A_62 = arith.constant 0 : i32
      scf.yield %scan3A_62 : i32
    }
    %scan3A_56 = arith.constant 125 : i32
    "tpu.region"() ({
      %run_scoped3A = tpu.sem_alloc : memref<!tpu.dma_semaphore, #tpu.memory_space<semaphore_mem>>
      %dma_start3A = arith.constant 0 : i32
      %dma_start3A_57 = tpu.memref_slice %arg3[%add3A, %dma_start3A] : memref<32x10240xf32, #tpu.memory_space<hbm>> -> memref<1x10240xf32, #tpu.memory_space<hbm>>
      %dma_start3A_58 = tpu.memref_squeeze %dma_start3A_57 : memref<1x10240xf32, #tpu.memory_space<hbm>> -> memref<10240xf32, #tpu.memory_space<hbm>>
      %dma_start3A_59 = arith.constant 0 : i32
      %dma_start3A_60 = tpu.memref_slice %arg3[%add3A, %dma_start3A_59] : memref<32x10240xf32, #tpu.memory_space<hbm>> -> memref<1x10240xf32, #tpu.memory_space<hbm>>
      %dma_start3A_61 = tpu.memref_squeeze %dma_start3A_60 : memref<1x10240xf32, #tpu.memory_space<hbm>> -> memref<10240xf32, #tpu.memory_space<hbm>>
      tpu.enqueue_dma source(%arg5 : memref<10240xf32, #tpu.memory_space<vmem>>) target(%dma_start3A_61 : memref<10240xf32, #tpu.memory_space<hbm>>) target_semaphore(%run_scoped3A : memref<!tpu.dma_semaphore, #tpu.memory_space<semaphore_mem>>)
      %dma_wait3A = arith.constant 0 : i32
      %dma_wait3A_62 = tpu.memref_slice %arg3[%add3A, %dma_wait3A] : memref<32x10240xf32, #tpu.memory_space<hbm>> -> memref<1x10240xf32, #tpu.memory_space<hbm>>
      %dma_wait3A_63 = tpu.memref_squeeze %dma_wait3A_62 : memref<1x10240xf32, #tpu.memory_space<hbm>> -> memref<10240xf32, #tpu.memory_space<hbm>>
      %dma_wait3A_64 = arith.constant 0 : i32
      %dma_wait3A_65 = tpu.memref_slice %arg3[%add3A, %dma_wait3A_64] : memref<32x10240xf32, #tpu.memory_space<hbm>> -> memref<1x10240xf32, #tpu.memory_space<hbm>>
      %dma_wait3A_66 = tpu.memref_squeeze %dma_wait3A_65 : memref<1x10240xf32, #tpu.memory_space<hbm>> -> memref<10240xf32, #tpu.memory_space<hbm>>
      tpu.wait_dma2 semaphore(%run_scoped3A : memref<!tpu.dma_semaphore, #tpu.memory_space<semaphore_mem>>) src(%arg5 : memref<10240xf32, #tpu.memory_space<vmem>>) dst(%dma_wait3A_66 : memref<10240xf32, #tpu.memory_space<hbm>>)
      tpu.yield
    }) : () -> ()
    return
  }
}

#map = affine_map<(d0, d1) -> (0, 0)>
#map1 = affine_map<(d0, d1) -> (0)>
#map2 = affine_map<(d0, d1) -> (0, 0, 0)>
module attributes {stable_mosaic.version = 14 : i64} {
  func.func @_edge_body(%arg0: i32, %arg1: i32, %arg2: memref<10000x128xf32, #tpu.memory_space<hbm>>, %arg3: memref<320000xi32, #tpu.memory_space<hbm>>, %arg4: memref<320000xi32, #tpu.memory_space<hbm>>, %arg5: memref<2x10240x128xf32, #tpu.memory_space<hbm>>, %arg6: memref<80xi32, #tpu.memory_space<vmem>>, %arg7: memref<80xi32, #tpu.memory_space<vmem>>, %arg8: memref<80xi32, #tpu.memory_space<vmem>>, %arg9: memref<80xi32, #tpu.memory_space<vmem>>, %arg10: memref<80xi32, #tpu.memory_space<vmem>>, %arg11: memref<80xi32, #tpu.memory_space<vmem>>, %arg12: memref<80xi32, #tpu.memory_space<vmem>>, %arg13: memref<80xi32, #tpu.memory_space<vmem>>, %arg14: memref<80xi32, #tpu.memory_space<vmem>>, %arg15: memref<80xi32, #tpu.memory_space<vmem>>, %arg16: memref<80xi32, #tpu.memory_space<vmem>>, %arg17: memref<80xi32, #tpu.memory_space<vmem>>, %arg18: memref<80x128xf32, #tpu.memory_space<vmem>>, %arg19: memref<80x128xf32, #tpu.memory_space<vmem>>, %arg20: memref<80x128xf32, #tpu.memory_space<vmem>>, %arg21: memref<10240x128xf32, #tpu.memory_space<vmem_shared>>, %arg22: memref<!tpu.dma_semaphore, #tpu.memory_space<semaphore_mem>>, %arg23: memref<!tpu.dma_semaphore, #tpu.memory_space<semaphore_mem>>, %arg24: memref<!tpu.dma_semaphore, #tpu.memory_space<semaphore_mem>>, %arg25: memref<!tpu.dma_semaphore, #tpu.memory_space<semaphore_mem>>, %arg26: memref<!tpu.dma_semaphore, #tpu.memory_space<semaphore_mem>>, %arg27: memref<!tpu.dma_semaphore, #tpu.memory_space<semaphore_mem>>, %arg28: memref<!tpu.dma_semaphore, #tpu.memory_space<semaphore_mem>>, %arg29: memref<!tpu.dma_semaphore, #tpu.memory_space<semaphore_mem>>, %arg30: memref<!tpu.dma_semaphore, #tpu.memory_space<semaphore_mem>>, %arg31: memref<!tpu.dma_semaphore, #tpu.memory_space<semaphore_mem>>, %arg32: memref<!tpu.dma_semaphore, #tpu.memory_space<semaphore_mem>>, %arg33: memref<!tpu.dma_semaphore, #tpu.memory_space<semaphore_mem>>) attributes {dimension_semantics = [#tpu.dimension_semantics<core_parallel>, #tpu.dimension_semantics<subcore_parallel>], iteration_bounds = array<i64: 2, 16>, scalar_prefetch = 0 : i64, scratch_operands = 28 : i64, tpu.core_type = #tpu.core_type<sc_vector_subcore>, window_params = [{transform_indices = #map}, {transform_indices = #map1}, {transform_indices = #map1}, {transform_indices = #map2}]} {
    %mul3A = arith.constant 2 : i32
    %mul3A_0 = arith.muli %arg1, %mul3A : i32
    %add3A = arith.addi %mul3A_0, %arg0 : i32
    %broadcast_in_dim3A = arith.constant 0.000000e+00 : f32
    %broadcast_in_dim3A_1 = vector.broadcast %broadcast_in_dim3A : f32 to vector<16xf32>
    %mul3A_2 = arith.constant 10000 : i32
    %mul3A_3 = arith.muli %add3A, %mul3A_2 : i32
    %scan3A = arith.constant 0 : i32
    %scan3A_4 = arith.constant 0 : i32
    %scan3A_5 = arith.constant 80 : i32
    %scan3A_6 = arith.addi %scan3A_4, %scan3A_5 : i32
    %scan3A_7 = arith.constant 1 : i32
    %scan3A_8 = scf.for %scan3A_91 = %scan3A_4 to %scan3A_6 step %scan3A_7 iter_args(%scan3A_92 = %scan3A) -> (i32)  : i32 {
      %swap3A = arith.index_cast %scan3A_91 : i32 to index
      %swap3A_93 = arith.constant 0 : index
      %swap3A_94 = tpu.vector_load %arg18[%swap3A, %swap3A_93] {strides = array<i32>} : memref<80x128xf32, #tpu.memory_space<vmem>>, vector<16xf32>,
      tpu.vector_store %arg18[%swap3A, %swap3A_93], %broadcast_in_dim3A_1 {strides = array<i32>} : memref<80x128xf32, #tpu.memory_space<vmem>>, vector<16xf32>,
      %swap3A_95 = arith.index_cast %scan3A_91 : i32 to index
      %swap3A_96 = arith.constant 16 : index
      %swap3A_97 = tpu.vector_load %arg18[%swap3A_95, %swap3A_96] {strides = array<i32>} : memref<80x128xf32, #tpu.memory_space<vmem>>, vector<16xf32>,
      tpu.vector_store %arg18[%swap3A_95, %swap3A_96], %broadcast_in_dim3A_1 {strides = array<i32>} : memref<80x128xf32, #tpu.memory_space<vmem>>, vector<16xf32>,
      %swap3A_98 = arith.index_cast %scan3A_91 : i32 to index
      %swap3A_99 = arith.constant 32 : index
      %swap3A_100 = tpu.vector_load %arg18[%swap3A_98, %swap3A_99] {strides = array<i32>} : memref<80x128xf32, #tpu.memory_space<vmem>>, vector<16xf32>,
      tpu.vector_store %arg18[%swap3A_98, %swap3A_99], %broadcast_in_dim3A_1 {strides = array<i32>} : memref<80x128xf32, #tpu.memory_space<vmem>>, vector<16xf32>,
      %swap3A_101 = arith.index_cast %scan3A_91 : i32 to index
      %swap3A_102 = arith.constant 48 : index
      %swap3A_103 = tpu.vector_load %arg18[%swap3A_101, %swap3A_102] {strides = array<i32>} : memref<80x128xf32, #tpu.memory_space<vmem>>, vector<16xf32>,
      tpu.vector_store %arg18[%swap3A_101, %swap3A_102], %broadcast_in_dim3A_1 {strides = array<i32>} : memref<80x128xf32, #tpu.memory_space<vmem>>, vector<16xf32>,
      %swap3A_104 = arith.index_cast %scan3A_91 : i32 to index
      %swap3A_105 = arith.constant 64 : index
      %swap3A_106 = tpu.vector_load %arg18[%swap3A_104, %swap3A_105] {strides = array<i32>} : memref<80x128xf32, #tpu.memory_space<vmem>>, vector<16xf32>,
      tpu.vector_store %arg18[%swap3A_104, %swap3A_105], %broadcast_in_dim3A_1 {strides = array<i32>} : memref<80x128xf32, #tpu.memory_space<vmem>>, vector<16xf32>,
      %swap3A_107 = arith.index_cast %scan3A_91 : i32 to index
      %swap3A_108 = arith.constant 80 : index
      %swap3A_109 = tpu.vector_load %arg18[%swap3A_107, %swap3A_108] {strides = array<i32>} : memref<80x128xf32, #tpu.memory_space<vmem>>, vector<16xf32>,
      tpu.vector_store %arg18[%swap3A_107, %swap3A_108], %broadcast_in_dim3A_1 {strides = array<i32>} : memref<80x128xf32, #tpu.memory_space<vmem>>, vector<16xf32>,
      %swap3A_110 = arith.index_cast %scan3A_91 : i32 to index
      %swap3A_111 = arith.constant 96 : index
      %swap3A_112 = tpu.vector_load %arg18[%swap3A_110, %swap3A_111] {strides = array<i32>} : memref<80x128xf32, #tpu.memory_space<vmem>>, vector<16xf32>,
      tpu.vector_store %arg18[%swap3A_110, %swap3A_111], %broadcast_in_dim3A_1 {strides = array<i32>} : memref<80x128xf32, #tpu.memory_space<vmem>>, vector<16xf32>,
      %swap3A_113 = arith.index_cast %scan3A_91 : i32 to index
      %swap3A_114 = arith.constant 112 : index
      %swap3A_115 = tpu.vector_load %arg18[%swap3A_113, %swap3A_114] {strides = array<i32>} : memref<80x128xf32, #tpu.memory_space<vmem>>, vector<16xf32>,
      tpu.vector_store %arg18[%swap3A_113, %swap3A_114], %broadcast_in_dim3A_1 {strides = array<i32>} : memref<80x128xf32, #tpu.memory_space<vmem>>, vector<16xf32>,
      %scan3A_116 = arith.constant 0 : i32
      scf.yield %scan3A_116 : i32
    }
    %scan3A_9 = arith.constant 80 : i32
    %mul3A_10 = arith.constant 640 : i32
    %mul3A_11 = arith.muli %arg1, %mul3A_10 : i32
    %add3A_12 = arith.constant 0 : i32
    %add3A_13 = arith.addi %mul3A_11, %add3A_12 : i32
    "tpu.region"() ({
      %run_scoped3A = tpu.sem_alloc : memref<!tpu.dma_semaphore, #tpu.memory_space<semaphore_mem>>
      %dma_start3A_91 = arith.constant 0 : i32
      %dma_start3A_92 = tpu.memref_slice %arg21[%add3A_13, %dma_start3A_91] : memref<10240x128xf32, #tpu.memory_space<vmem_shared>> -> memref<80x128xf32, #tpu.memory_space<vmem_shared>>
      %dma_start3A_93 = arith.constant 0 : i32
      %dma_start3A_94 = tpu.memref_slice %arg21[%add3A_13, %dma_start3A_93] : memref<10240x128xf32, #tpu.memory_space<vmem_shared>> -> memref<80x128xf32, #tpu.memory_space<vmem_shared>>
      tpu.enqueue_dma source(%arg18 : memref<80x128xf32, #tpu.memory_space<vmem>>) target(%dma_start3A_94 : memref<80x128xf32, #tpu.memory_space<vmem_shared>>) target_semaphore(%run_scoped3A : memref<!tpu.dma_semaphore, #tpu.memory_space<semaphore_mem>>)
      %dma_wait3A_95 = arith.constant 0 : i32
      %dma_wait3A_96 = tpu.memref_slice %arg21[%add3A_13, %dma_wait3A_95] : memref<10240x128xf32, #tpu.memory_space<vmem_shared>> -> memref<80x128xf32, #tpu.memory_space<vmem_shared>>
      %dma_wait3A_97 = arith.constant 0 : i32
      %dma_wait3A_98 = tpu.memref_slice %arg21[%add3A_13, %dma_wait3A_97] : memref<10240x128xf32, #tpu.memory_space<vmem_shared>> -> memref<80x128xf32, #tpu.memory_space<vmem_shared>>
      tpu.wait_dma2 semaphore(%run_scoped3A : memref<!tpu.dma_semaphore, #tpu.memory_space<semaphore_mem>>) src(%arg18 : memref<80x128xf32, #tpu.memory_space<vmem>>) dst(%dma_wait3A_98 : memref<80x128xf32, #tpu.memory_space<vmem_shared>>)
      tpu.yield
    }) : () -> ()
    %add3A_14 = arith.constant 80 : i32
    %add3A_15 = arith.addi %mul3A_11, %add3A_14 : i32
    "tpu.region"() ({
      %run_scoped3A = tpu.sem_alloc : memref<!tpu.dma_semaphore, #tpu.memory_space<semaphore_mem>>
      %dma_start3A_91 = arith.constant 0 : i32
      %dma_start3A_92 = tpu.memref_slice %arg21[%add3A_15, %dma_start3A_91] : memref<10240x128xf32, #tpu.memory_space<vmem_shared>> -> memref<80x128xf32, #tpu.memory_space<vmem_shared>>
      %dma_start3A_93 = arith.constant 0 : i32
      %dma_start3A_94 = tpu.memref_slice %arg21[%add3A_15, %dma_start3A_93] : memref<10240x128xf32, #tpu.memory_space<vmem_shared>> -> memref<80x128xf32, #tpu.memory_space<vmem_shared>>
      tpu.enqueue_dma source(%arg18 : memref<80x128xf32, #tpu.memory_space<vmem>>) target(%dma_start3A_94 : memref<80x128xf32, #tpu.memory_space<vmem_shared>>) target_semaphore(%run_scoped3A : memref<!tpu.dma_semaphore, #tpu.memory_space<semaphore_mem>>)
      %dma_wait3A_95 = arith.constant 0 : i32
      %dma_wait3A_96 = tpu.memref_slice %arg21[%add3A_15, %dma_wait3A_95] : memref<10240x128xf32, #tpu.memory_space<vmem_shared>> -> memref<80x128xf32, #tpu.memory_space<vmem_shared>>
      %dma_wait3A_97 = arith.constant 0 : i32
      %dma_wait3A_98 = tpu.memref_slice %arg21[%add3A_15, %dma_wait3A_97] : memref<10240x128xf32, #tpu.memory_space<vmem_shared>> -> memref<80x128xf32, #tpu.memory_space<vmem_shared>>
      tpu.wait_dma2 semaphore(%run_scoped3A : memref<!tpu.dma_semaphore, #tpu.memory_space<semaphore_mem>>) src(%arg18 : memref<80x128xf32, #tpu.memory_space<vmem>>) dst(%dma_wait3A_98 : memref<80x128xf32, #tpu.memory_space<vmem_shared>>)
      tpu.yield
    }) : () -> ()
    %add3A_16 = arith.constant 160 : i32
    %add3A_17 = arith.addi %mul3A_11, %add3A_16 : i32
    "tpu.region"() ({
      %run_scoped3A = tpu.sem_alloc : memref<!tpu.dma_semaphore, #tpu.memory_space<semaphore_mem>>
      %dma_start3A_91 = arith.constant 0 : i32
      %dma_start3A_92 = tpu.memref_slice %arg21[%add3A_17, %dma_start3A_91] : memref<10240x128xf32, #tpu.memory_space<vmem_shared>> -> memref<80x128xf32, #tpu.memory_space<vmem_shared>>
      %dma_start3A_93 = arith.constant 0 : i32
      %dma_start3A_94 = tpu.memref_slice %arg21[%add3A_17, %dma_start3A_93] : memref<10240x128xf32, #tpu.memory_space<vmem_shared>> -> memref<80x128xf32, #tpu.memory_space<vmem_shared>>
      tpu.enqueue_dma source(%arg18 : memref<80x128xf32, #tpu.memory_space<vmem>>) target(%dma_start3A_94 : memref<80x128xf32, #tpu.memory_space<vmem_shared>>) target_semaphore(%run_scoped3A : memref<!tpu.dma_semaphore, #tpu.memory_space<semaphore_mem>>)
      %dma_wait3A_95 = arith.constant 0 : i32
      %dma_wait3A_96 = tpu.memref_slice %arg21[%add3A_17, %dma_wait3A_95] : memref<10240x128xf32, #tpu.memory_space<vmem_shared>> -> memref<80x128xf32, #tpu.memory_space<vmem_shared>>
      %dma_wait3A_97 = arith.constant 0 : i32
      %dma_wait3A_98 = tpu.memref_slice %arg21[%add3A_17, %dma_wait3A_97] : memref<10240x128xf32, #tpu.memory_space<vmem_shared>> -> memref<80x128xf32, #tpu.memory_space<vmem_shared>>
      tpu.wait_dma2 semaphore(%run_scoped3A : memref<!tpu.dma_semaphore, #tpu.memory_space<semaphore_mem>>) src(%arg18 : memref<80x128xf32, #tpu.memory_space<vmem>>) dst(%dma_wait3A_98 : memref<80x128xf32, #tpu.memory_space<vmem_shared>>)
      tpu.yield
    }) : () -> ()
    %add3A_18 = arith.constant 240 : i32
    %add3A_19 = arith.addi %mul3A_11, %add3A_18 : i32
    "tpu.region"() ({
      %run_scoped3A = tpu.sem_alloc : memref<!tpu.dma_semaphore, #tpu.memory_space<semaphore_mem>>
      %dma_start3A_91 = arith.constant 0 : i32
      %dma_start3A_92 = tpu.memref_slice %arg21[%add3A_19, %dma_start3A_91] : memref<10240x128xf32, #tpu.memory_space<vmem_shared>> -> memref<80x128xf32, #tpu.memory_space<vmem_shared>>
      %dma_start3A_93 = arith.constant 0 : i32
      %dma_start3A_94 = tpu.memref_slice %arg21[%add3A_19, %dma_start3A_93] : memref<10240x128xf32, #tpu.memory_space<vmem_shared>> -> memref<80x128xf32, #tpu.memory_space<vmem_shared>>
      tpu.enqueue_dma source(%arg18 : memref<80x128xf32, #tpu.memory_space<vmem>>) target(%dma_start3A_94 : memref<80x128xf32, #tpu.memory_space<vmem_shared>>) target_semaphore(%run_scoped3A : memref<!tpu.dma_semaphore, #tpu.memory_space<semaphore_mem>>)
      %dma_wait3A_95 = arith.constant 0 : i32
      %dma_wait3A_96 = tpu.memref_slice %arg21[%add3A_19, %dma_wait3A_95] : memref<10240x128xf32, #tpu.memory_space<vmem_shared>> -> memref<80x128xf32, #tpu.memory_space<vmem_shared>>
      %dma_wait3A_97 = arith.constant 0 : i32
      %dma_wait3A_98 = tpu.memref_slice %arg21[%add3A_19, %dma_wait3A_97] : memref<10240x128xf32, #tpu.memory_space<vmem_shared>> -> memref<80x128xf32, #tpu.memory_space<vmem_shared>>
      tpu.wait_dma2 semaphore(%run_scoped3A : memref<!tpu.dma_semaphore, #tpu.memory_space<semaphore_mem>>) src(%arg18 : memref<80x128xf32, #tpu.memory_space<vmem>>) dst(%dma_wait3A_98 : memref<80x128xf32, #tpu.memory_space<vmem_shared>>)
      tpu.yield
    }) : () -> ()
    %add3A_20 = arith.constant 320 : i32
    %add3A_21 = arith.addi %mul3A_11, %add3A_20 : i32
    "tpu.region"() ({
      %run_scoped3A = tpu.sem_alloc : memref<!tpu.dma_semaphore, #tpu.memory_space<semaphore_mem>>
      %dma_start3A_91 = arith.constant 0 : i32
      %dma_start3A_92 = tpu.memref_slice %arg21[%add3A_21, %dma_start3A_91] : memref<10240x128xf32, #tpu.memory_space<vmem_shared>> -> memref<80x128xf32, #tpu.memory_space<vmem_shared>>
      %dma_start3A_93 = arith.constant 0 : i32
      %dma_start3A_94 = tpu.memref_slice %arg21[%add3A_21, %dma_start3A_93] : memref<10240x128xf32, #tpu.memory_space<vmem_shared>> -> memref<80x128xf32, #tpu.memory_space<vmem_shared>>
      tpu.enqueue_dma source(%arg18 : memref<80x128xf32, #tpu.memory_space<vmem>>) target(%dma_start3A_94 : memref<80x128xf32, #tpu.memory_space<vmem_shared>>) target_semaphore(%run_scoped3A : memref<!tpu.dma_semaphore, #tpu.memory_space<semaphore_mem>>)
      %dma_wait3A_95 = arith.constant 0 : i32
      %dma_wait3A_96 = tpu.memref_slice %arg21[%add3A_21, %dma_wait3A_95] : memref<10240x128xf32, #tpu.memory_space<vmem_shared>> -> memref<80x128xf32, #tpu.memory_space<vmem_shared>>
      %dma_wait3A_97 = arith.constant 0 : i32
      %dma_wait3A_98 = tpu.memref_slice %arg21[%add3A_21, %dma_wait3A_97] : memref<10240x128xf32, #tpu.memory_space<vmem_shared>> -> memref<80x128xf32, #tpu.memory_space<vmem_shared>>
      tpu.wait_dma2 semaphore(%run_scoped3A : memref<!tpu.dma_semaphore, #tpu.memory_space<semaphore_mem>>) src(%arg18 : memref<80x128xf32, #tpu.memory_space<vmem>>) dst(%dma_wait3A_98 : memref<80x128xf32, #tpu.memory_space<vmem_shared>>)
      tpu.yield
    }) : () -> ()
    %add3A_22 = arith.constant 400 : i32
    %add3A_23 = arith.addi %mul3A_11, %add3A_22 : i32
    "tpu.region"() ({
      %run_scoped3A = tpu.sem_alloc : memref<!tpu.dma_semaphore, #tpu.memory_space<semaphore_mem>>
      %dma_start3A_91 = arith.constant 0 : i32
      %dma_start3A_92 = tpu.memref_slice %arg21[%add3A_23, %dma_start3A_91] : memref<10240x128xf32, #tpu.memory_space<vmem_shared>> -> memref<80x128xf32, #tpu.memory_space<vmem_shared>>
      %dma_start3A_93 = arith.constant 0 : i32
      %dma_start3A_94 = tpu.memref_slice %arg21[%add3A_23, %dma_start3A_93] : memref<10240x128xf32, #tpu.memory_space<vmem_shared>> -> memref<80x128xf32, #tpu.memory_space<vmem_shared>>
      tpu.enqueue_dma source(%arg18 : memref<80x128xf32, #tpu.memory_space<vmem>>) target(%dma_start3A_94 : memref<80x128xf32, #tpu.memory_space<vmem_shared>>) target_semaphore(%run_scoped3A : memref<!tpu.dma_semaphore, #tpu.memory_space<semaphore_mem>>)
      %dma_wait3A_95 = arith.constant 0 : i32
      %dma_wait3A_96 = tpu.memref_slice %arg21[%add3A_23, %dma_wait3A_95] : memref<10240x128xf32, #tpu.memory_space<vmem_shared>> -> memref<80x128xf32, #tpu.memory_space<vmem_shared>>
      %dma_wait3A_97 = arith.constant 0 : i32
      %dma_wait3A_98 = tpu.memref_slice %arg21[%add3A_23, %dma_wait3A_97] : memref<10240x128xf32, #tpu.memory_space<vmem_shared>> -> memref<80x128xf32, #tpu.memory_space<vmem_shared>>
      tpu.wait_dma2 semaphore(%run_scoped3A : memref<!tpu.dma_semaphore, #tpu.memory_space<semaphore_mem>>) src(%arg18 : memref<80x128xf32, #tpu.memory_space<vmem>>) dst(%dma_wait3A_98 : memref<80x128xf32, #tpu.memory_space<vmem_shared>>)
      tpu.yield
    }) : () -> ()
    %add3A_24 = arith.constant 480 : i32
    %add3A_25 = arith.addi %mul3A_11, %add3A_24 : i32
    "tpu.region"() ({
      %run_scoped3A = tpu.sem_alloc : memref<!tpu.dma_semaphore, #tpu.memory_space<semaphore_mem>>
      %dma_start3A_91 = arith.constant 0 : i32
      %dma_start3A_92 = tpu.memref_slice %arg21[%add3A_25, %dma_start3A_91] : memref<10240x128xf32, #tpu.memory_space<vmem_shared>> -> memref<80x128xf32, #tpu.memory_space<vmem_shared>>
      %dma_start3A_93 = arith.constant 0 : i32
      %dma_start3A_94 = tpu.memref_slice %arg21[%add3A_25, %dma_start3A_93] : memref<10240x128xf32, #tpu.memory_space<vmem_shared>> -> memref<80x128xf32, #tpu.memory_space<vmem_shared>>
      tpu.enqueue_dma source(%arg18 : memref<80x128xf32, #tpu.memory_space<vmem>>) target(%dma_start3A_94 : memref<80x128xf32, #tpu.memory_space<vmem_shared>>) target_semaphore(%run_scoped3A : memref<!tpu.dma_semaphore, #tpu.memory_space<semaphore_mem>>)
      %dma_wait3A_95 = arith.constant 0 : i32
      %dma_wait3A_96 = tpu.memref_slice %arg21[%add3A_25, %dma_wait3A_95] : memref<10240x128xf32, #tpu.memory_space<vmem_shared>> -> memref<80x128xf32, #tpu.memory_space<vmem_shared>>
      %dma_wait3A_97 = arith.constant 0 : i32
      %dma_wait3A_98 = tpu.memref_slice %arg21[%add3A_25, %dma_wait3A_97] : memref<10240x128xf32, #tpu.memory_space<vmem_shared>> -> memref<80x128xf32, #tpu.memory_space<vmem_shared>>
      tpu.wait_dma2 semaphore(%run_scoped3A : memref<!tpu.dma_semaphore, #tpu.memory_space<semaphore_mem>>) src(%arg18 : memref<80x128xf32, #tpu.memory_space<vmem>>) dst(%dma_wait3A_98 : memref<80x128xf32, #tpu.memory_space<vmem_shared>>)
      tpu.yield
    }) : () -> ()
    %add3A_26 = arith.constant 560 : i32
    %add3A_27 = arith.addi %mul3A_11, %add3A_26 : i32
    "tpu.region"() ({
      %run_scoped3A = tpu.sem_alloc : memref<!tpu.dma_semaphore, #tpu.memory_space<semaphore_mem>>
      %dma_start3A_91 = arith.constant 0 : i32
      %dma_start3A_92 = tpu.memref_slice %arg21[%add3A_27, %dma_start3A_91] : memref<10240x128xf32, #tpu.memory_space<vmem_shared>> -> memref<80x128xf32, #tpu.memory_space<vmem_shared>>
      %dma_start3A_93 = arith.constant 0 : i32
      %dma_start3A_94 = tpu.memref_slice %arg21[%add3A_27, %dma_start3A_93] : memref<10240x128xf32, #tpu.memory_space<vmem_shared>> -> memref<80x128xf32, #tpu.memory_space<vmem_shared>>
      tpu.enqueue_dma source(%arg18 : memref<80x128xf32, #tpu.memory_space<vmem>>) target(%dma_start3A_94 : memref<80x128xf32, #tpu.memory_space<vmem_shared>>) target_semaphore(%run_scoped3A : memref<!tpu.dma_semaphore, #tpu.memory_space<semaphore_mem>>)
      %dma_wait3A_95 = arith.constant 0 : i32
      %dma_wait3A_96 = tpu.memref_slice %arg21[%add3A_27, %dma_wait3A_95] : memref<10240x128xf32, #tpu.memory_space<vmem_shared>> -> memref<80x128xf32, #tpu.memory_space<vmem_shared>>
      %dma_wait3A_97 = arith.constant 0 : i32
      %dma_wait3A_98 = tpu.memref_slice %arg21[%add3A_27, %dma_wait3A_97] : memref<10240x128xf32, #tpu.memory_space<vmem_shared>> -> memref<80x128xf32, #tpu.memory_space<vmem_shared>>
      tpu.wait_dma2 semaphore(%run_scoped3A : memref<!tpu.dma_semaphore, #tpu.memory_space<semaphore_mem>>) src(%arg18 : memref<80x128xf32, #tpu.memory_space<vmem>>) dst(%dma_wait3A_98 : memref<80x128xf32, #tpu.memory_space<vmem_shared>>)
      tpu.yield
    }) : () -> ()
    %barrier3A = arith.constant 0 : index
    tpu.barrier barrier_id(%barrier3A)
    "tpu.region"() ({
      %run_scoped3A = tpu.sem_alloc : memref<!tpu.dma_semaphore, #tpu.memory_space<semaphore_mem>>
      %dma_start3A_91 = tpu.memref_slice %arg3[%mul3A_3] : memref<320000xi32, #tpu.memory_space<hbm>> -> memref<80xi32, #tpu.memory_space<hbm>>
      %dma_start3A_92 = tpu.memref_slice %arg3[%mul3A_3] : memref<320000xi32, #tpu.memory_space<hbm>> -> memref<80xi32, #tpu.memory_space<hbm>>
      tpu.enqueue_dma source(%dma_start3A_92 : memref<80xi32, #tpu.memory_space<hbm>>) target(%arg6 : memref<80xi32, #tpu.memory_space<vmem>>) target_semaphore(%run_scoped3A : memref<!tpu.dma_semaphore, #tpu.memory_space<semaphore_mem>>)
      %dma_wait3A_93 = tpu.memref_slice %arg3[%mul3A_3] : memref<320000xi32, #tpu.memory_space<hbm>> -> memref<80xi32, #tpu.memory_space<hbm>>
      %dma_wait3A_94 = tpu.memref_slice %arg3[%mul3A_3] : memref<320000xi32, #tpu.memory_space<hbm>> -> memref<80xi32, #tpu.memory_space<hbm>>
      tpu.wait_dma2 semaphore(%run_scoped3A : memref<!tpu.dma_semaphore, #tpu.memory_space<semaphore_mem>>) src(%dma_wait3A_94 : memref<80xi32, #tpu.memory_space<hbm>>) dst(%arg6 : memref<80xi32, #tpu.memory_space<vmem>>)
      tpu.yield
    }) : () -> ()
    "tpu.region"() ({
      %run_scoped3A = tpu.sem_alloc : memref<!tpu.dma_semaphore, #tpu.memory_space<semaphore_mem>>
      %dma_start3A_91 = tpu.memref_slice %arg4[%mul3A_3] : memref<320000xi32, #tpu.memory_space<hbm>> -> memref<80xi32, #tpu.memory_space<hbm>>
      %dma_start3A_92 = tpu.memref_slice %arg4[%mul3A_3] : memref<320000xi32, #tpu.memory_space<hbm>> -> memref<80xi32, #tpu.memory_space<hbm>>
      tpu.enqueue_dma source(%dma_start3A_92 : memref<80xi32, #tpu.memory_space<hbm>>) target(%arg12 : memref<80xi32, #tpu.memory_space<vmem>>) target_semaphore(%run_scoped3A : memref<!tpu.dma_semaphore, #tpu.memory_space<semaphore_mem>>)
      %dma_wait3A_93 = tpu.memref_slice %arg4[%mul3A_3] : memref<320000xi32, #tpu.memory_space<hbm>> -> memref<80xi32, #tpu.memory_space<hbm>>
      %dma_wait3A_94 = tpu.memref_slice %arg4[%mul3A_3] : memref<320000xi32, #tpu.memory_space<hbm>> -> memref<80xi32, #tpu.memory_space<hbm>>
      tpu.wait_dma2 semaphore(%run_scoped3A : memref<!tpu.dma_semaphore, #tpu.memory_space<semaphore_mem>>) src(%dma_wait3A_94 : memref<80xi32, #tpu.memory_space<hbm>>) dst(%arg12 : memref<80xi32, #tpu.memory_space<vmem>>)
      tpu.yield
    }) : () -> ()
    %add3A_28 = arith.constant 80 : i32
    %add3A_29 = arith.addi %mul3A_3, %add3A_28 : i32
    "tpu.region"() ({
      %run_scoped3A = tpu.sem_alloc : memref<!tpu.dma_semaphore, #tpu.memory_space<semaphore_mem>>
      %dma_start3A_91 = tpu.memref_slice %arg3[%add3A_29] : memref<320000xi32, #tpu.memory_space<hbm>> -> memref<80xi32, #tpu.memory_space<hbm>>
      %dma_start3A_92 = tpu.memref_slice %arg3[%add3A_29] : memref<320000xi32, #tpu.memory_space<hbm>> -> memref<80xi32, #tpu.memory_space<hbm>>
      tpu.enqueue_dma source(%dma_start3A_92 : memref<80xi32, #tpu.memory_space<hbm>>) target(%arg7 : memref<80xi32, #tpu.memory_space<vmem>>) target_semaphore(%run_scoped3A : memref<!tpu.dma_semaphore, #tpu.memory_space<semaphore_mem>>)
      %dma_wait3A_93 = tpu.memref_slice %arg3[%add3A_29] : memref<320000xi32, #tpu.memory_space<hbm>> -> memref<80xi32, #tpu.memory_space<hbm>>
      %dma_wait3A_94 = tpu.memref_slice %arg3[%add3A_29] : memref<320000xi32, #tpu.memory_space<hbm>> -> memref<80xi32, #tpu.memory_space<hbm>>
      tpu.wait_dma2 semaphore(%run_scoped3A : memref<!tpu.dma_semaphore, #tpu.memory_space<semaphore_mem>>) src(%dma_wait3A_94 : memref<80xi32, #tpu.memory_space<hbm>>) dst(%arg7 : memref<80xi32, #tpu.memory_space<vmem>>)
      tpu.yield
    }) : () -> ()
    %add3A_30 = arith.constant 80 : i32
    %add3A_31 = arith.addi %mul3A_3, %add3A_30 : i32
    "tpu.region"() ({
      %run_scoped3A = tpu.sem_alloc : memref<!tpu.dma_semaphore, #tpu.memory_space<semaphore_mem>>
      %dma_start3A_91 = tpu.memref_slice %arg4[%add3A_31] : memref<320000xi32, #tpu.memory_space<hbm>> -> memref<80xi32, #tpu.memory_space<hbm>>
      %dma_start3A_92 = tpu.memref_slice %arg4[%add3A_31] : memref<320000xi32, #tpu.memory_space<hbm>> -> memref<80xi32, #tpu.memory_space<hbm>>
      tpu.enqueue_dma source(%dma_start3A_92 : memref<80xi32, #tpu.memory_space<hbm>>) target(%arg13 : memref<80xi32, #tpu.memory_space<vmem>>) target_semaphore(%run_scoped3A : memref<!tpu.dma_semaphore, #tpu.memory_space<semaphore_mem>>)
      %dma_wait3A_93 = tpu.memref_slice %arg4[%add3A_31] : memref<320000xi32, #tpu.memory_space<hbm>> -> memref<80xi32, #tpu.memory_space<hbm>>
      %dma_wait3A_94 = tpu.memref_slice %arg4[%add3A_31] : memref<320000xi32, #tpu.memory_space<hbm>> -> memref<80xi32, #tpu.memory_space<hbm>>
      tpu.wait_dma2 semaphore(%run_scoped3A : memref<!tpu.dma_semaphore, #tpu.memory_space<semaphore_mem>>) src(%dma_wait3A_94 : memref<80xi32, #tpu.memory_space<hbm>>) dst(%arg13 : memref<80xi32, #tpu.memory_space<vmem>>)
      tpu.yield
    }) : () -> ()
    %add3A_32 = arith.constant 160 : i32
    %add3A_33 = arith.addi %mul3A_3, %add3A_32 : i32
    %dma_start3A = tpu.memref_slice %arg3[%add3A_33] : memref<320000xi32, #tpu.memory_space<hbm>> -> memref<80xi32, #tpu.memory_space<hbm>>
    %dma_start3A_34 = tpu.memref_slice %arg3[%add3A_33] : memref<320000xi32, #tpu.memory_space<hbm>> -> memref<80xi32, #tpu.memory_space<hbm>>
    tpu.enqueue_dma source(%dma_start3A_34 : memref<80xi32, #tpu.memory_space<hbm>>) target(%arg8 : memref<80xi32, #tpu.memory_space<vmem>>) target_semaphore(%arg30 : memref<!tpu.dma_semaphore, #tpu.memory_space<semaphore_mem>>)
    %dma_start3A_35 = tpu.memref_slice %arg4[%add3A_33] : memref<320000xi32, #tpu.memory_space<hbm>> -> memref<80xi32, #tpu.memory_space<hbm>>
    %dma_start3A_36 = tpu.memref_slice %arg4[%add3A_33] : memref<320000xi32, #tpu.memory_space<hbm>> -> memref<80xi32, #tpu.memory_space<hbm>>
    tpu.enqueue_dma source(%dma_start3A_36 : memref<80xi32, #tpu.memory_space<hbm>>) target(%arg14 : memref<80xi32, #tpu.memory_space<vmem>>) target_semaphore(%arg30 : memref<!tpu.dma_semaphore, #tpu.memory_space<semaphore_mem>>)
    %add3A_37 = arith.constant 240 : i32
    %add3A_38 = arith.addi %mul3A_3, %add3A_37 : i32
    %dma_start3A_39 = tpu.memref_slice %arg3[%add3A_38] : memref<320000xi32, #tpu.memory_space<hbm>> -> memref<80xi32, #tpu.memory_space<hbm>>
    %dma_start3A_40 = tpu.memref_slice %arg3[%add3A_38] : memref<320000xi32, #tpu.memory_space<hbm>> -> memref<80xi32, #tpu.memory_space<hbm>>
    tpu.enqueue_dma source(%dma_start3A_40 : memref<80xi32, #tpu.memory_space<hbm>>) target(%arg9 : memref<80xi32, #tpu.memory_space<vmem>>) target_semaphore(%arg31 : memref<!tpu.dma_semaphore, #tpu.memory_space<semaphore_mem>>)
    %dma_start3A_41 = tpu.memref_slice %arg4[%add3A_38] : memref<320000xi32, #tpu.memory_space<hbm>> -> memref<80xi32, #tpu.memory_space<hbm>>
    %dma_start3A_42 = tpu.memref_slice %arg4[%add3A_38] : memref<320000xi32, #tpu.memory_space<hbm>> -> memref<80xi32, #tpu.memory_space<hbm>>
    tpu.enqueue_dma source(%dma_start3A_42 : memref<80xi32, #tpu.memory_space<hbm>>) target(%arg15 : memref<80xi32, #tpu.memory_space<vmem>>) target_semaphore(%arg31 : memref<!tpu.dma_semaphore, #tpu.memory_space<semaphore_mem>>)
    %dma_start3A_43 = arith.constant 0 : i32
    %dma_start3A_44 = arith.constant 0 : i32
    %dma_start3A_45 = tpu.memref_slice %arg2[%dma_start3A_43, %dma_start3A_44] : memref<10000x128xf32, #tpu.memory_space<hbm>> -> memref<10000x128xf32, #tpu.memory_space<hbm>>
    tpu.enqueue_indirect_dma source(%dma_start3A_45 : memref<10000x128xf32, #tpu.memory_space<hbm>>) target(%arg18 : memref<80x128xf32, #tpu.memory_space<vmem>>) offsets(%arg6 : memref<80xi32, #tpu.memory_space<vmem>>) semaphore(%arg22 : memref<!tpu.dma_semaphore, #tpu.memory_space<semaphore_mem>>)
    %dma_start3A_46 = arith.constant 0 : i32
    %dma_start3A_47 = arith.constant 0 : i32
    %dma_start3A_48 = tpu.memref_slice %arg2[%dma_start3A_46, %dma_start3A_47] : memref<10000x128xf32, #tpu.memory_space<hbm>> -> memref<10000x128xf32, #tpu.memory_space<hbm>>
    tpu.enqueue_indirect_dma source(%dma_start3A_48 : memref<10000x128xf32, #tpu.memory_space<hbm>>) target(%arg19 : memref<80x128xf32, #tpu.memory_space<vmem>>) offsets(%arg7 : memref<80xi32, #tpu.memory_space<vmem>>) semaphore(%arg23 : memref<!tpu.dma_semaphore, #tpu.memory_space<semaphore_mem>>)
    %scan3A_49 = arith.constant 0 : i32
    %scan3A_50 = arith.constant 0 : i32
    %scan3A_51 = arith.constant 125 : i32
    %scan3A_52 = arith.addi %scan3A_50, %scan3A_51 : i32
    %scan3A_53 = arith.constant 1 : i32
    %scan3A_54 = scf.for %scan3A_91 = %scan3A_50 to %scan3A_52 step %scan3A_53 iter_args(%scan3A_92 = %scan3A_49) -> (i32)  : i32 {
      %jit3A = arith.constant 6 : i32
      %eq3A = arith.constant 0 : i32
      %eq3A_93 = arith.cmpi eq, %jit3A, %eq3A : i32
      %jit3A_94 = arith.constant 1 : i32
      %select_n3A = arith.select %eq3A_93, %jit3A_94, %jit3A : i32
      %rem3A = arith.remsi %scan3A_91, %select_n3A : i32
      %ne3A = arith.constant 0 : i32
      %ne3A_95 = arith.cmpi ne, %rem3A, %ne3A : i32
      %lt3A = arith.constant 0 : i32
      %lt3A_96 = arith.cmpi slt, %rem3A, %lt3A : i32
      %lt3A_97 = arith.constant 0 : i32
      %lt3A_98 = arith.cmpi slt, %select_n3A, %lt3A_97 : i32
      %ne3A_99 = arith.xori %lt3A_96, %lt3A_98 : i1
      %and3A = arith.andi %ne3A_99, %ne3A_95 : i1
      %add3A_100 = arith.addi %rem3A, %select_n3A : i32
      %select_n3A_101 = arith.select %and3A, %add3A_100, %rem3A : i32
      %eq3A_102 = arith.constant 0 : i32
      %eq3A_103 = arith.cmpi eq, %select_n3A_101, %eq3A_102 : i32
      %convert_element_type3A = arith.extui %eq3A_103 : i1 to i32
      %cond3A = arith.constant 0 : i32
      %cond3A_104 = arith.cmpi ne, %convert_element_type3A, %cond3A : i32
      scf.if %cond3A_104 {
        %dma_wait3A_211 = arith.constant 0 : i32
        %dma_wait3A_212 = arith.constant 0 : i32
        %dma_wait3A_213 = tpu.memref_slice %arg2[%dma_wait3A_211, %dma_wait3A_212] : memref<10000x128xf32, #tpu.memory_space<hbm>> -> memref<10000x128xf32, #tpu.memory_space<hbm>>
        tpu.wait_indirect_dma semaphore(%arg22 : memref<!tpu.dma_semaphore, #tpu.memory_space<semaphore_mem>>) src(%dma_wait3A_213 : memref<10000x128xf32, #tpu.memory_space<hbm>>) dst(%arg18 : memref<80x128xf32, #tpu.memory_space<vmem>>)
        %dma_start3A_214 = arith.constant 0 : i32
        %dma_start3A_215 = arith.constant 0 : i32
        %dma_start3A_216 = tpu.memref_slice %arg21[%dma_start3A_214, %dma_start3A_215] : memref<10240x128xf32, #tpu.memory_space<vmem_shared>> -> memref<10240x128xf32, #tpu.memory_space<vmem_shared>>
        tpu.enqueue_indirect_dma source(%arg18 : memref<80x128xf32, #tpu.memory_space<vmem>>) target(%dma_start3A_216 : memref<10240x128xf32, #tpu.memory_space<vmem_shared>>) offsets(%arg12 : memref<80xi32, #tpu.memory_space<vmem>>) semaphore(%arg25 : memref<!tpu.dma_semaphore, #tpu.memory_space<semaphore_mem>>) {add = true}
        %ge3A = arith.constant 1 : i32
        %ge3A_217 = arith.cmpi sge, %scan3A_91, %ge3A : i32
        %convert_element_type3A_218 = arith.extui %ge3A_217 : i1 to i32
        %cond3A_219 = arith.constant 0 : i32
        %cond3A_220 = arith.cmpi ne, %convert_element_type3A_218, %cond3A_219 : i32
        scf.if %cond3A_220 {
          %dma_wait3A_235 = arith.constant 0 : i32
          %dma_wait3A_236 = arith.constant 0 : i32
          %dma_wait3A_237 = tpu.memref_slice %arg21[%dma_wait3A_235, %dma_wait3A_236] : memref<10240x128xf32, #tpu.memory_space<vmem_shared>> -> memref<10240x128xf32, #tpu.memory_space<vmem_shared>>
          tpu.wait_indirect_dma semaphore(%arg27 : memref<!tpu.dma_semaphore, #tpu.memory_space<semaphore_mem>>) src(%arg20 : memref<80x128xf32, #tpu.memory_space<vmem>>) dst(%dma_wait3A_237 : memref<10240x128xf32, #tpu.memory_space<vmem_shared>>)
        } else {
        }
        %add3A_221 = arith.constant 2 : i32
        %add3A_222 = arith.addi %scan3A_91, %add3A_221 : i32
        %lt3A_223 = arith.constant 125 : i32
        %lt3A_224 = arith.cmpi slt, %add3A_222, %lt3A_223 : i32
        %convert_element_type3A_225 = arith.extui %lt3A_224 : i1 to i32
        %cond3A_226 = arith.constant 0 : i32
        %cond3A_227 = arith.cmpi ne, %convert_element_type3A_225, %cond3A_226 : i32
        scf.if %cond3A_227 {
          %dma_wait3A_235 = tpu.memref_slice %arg3[%mul3A_3] : memref<320000xi32, #tpu.memory_space<hbm>> -> memref<80xi32, #tpu.memory_space<hbm>>
          %dma_wait3A_236 = tpu.memref_slice %arg3[%mul3A_3] : memref<320000xi32, #tpu.memory_space<hbm>> -> memref<80xi32, #tpu.memory_space<hbm>>
          tpu.wait_dma2 semaphore(%arg30 : memref<!tpu.dma_semaphore, #tpu.memory_space<semaphore_mem>>) src(%dma_wait3A_236 : memref<80xi32, #tpu.memory_space<hbm>>) dst(%arg8 : memref<80xi32, #tpu.memory_space<vmem>>)
          %dma_wait3A_237 = tpu.memref_slice %arg4[%mul3A_3] : memref<320000xi32, #tpu.memory_space<hbm>> -> memref<80xi32, #tpu.memory_space<hbm>>
          %dma_wait3A_238 = tpu.memref_slice %arg4[%mul3A_3] : memref<320000xi32, #tpu.memory_space<hbm>> -> memref<80xi32, #tpu.memory_space<hbm>>
          tpu.wait_dma2 semaphore(%arg30 : memref<!tpu.dma_semaphore, #tpu.memory_space<semaphore_mem>>) src(%dma_wait3A_238 : memref<80xi32, #tpu.memory_space<hbm>>) dst(%arg14 : memref<80xi32, #tpu.memory_space<vmem>>)
          %dma_start3A_239 = arith.constant 0 : i32
          %dma_start3A_240 = arith.constant 0 : i32
          %dma_start3A_241 = tpu.memref_slice %arg2[%dma_start3A_239, %dma_start3A_240] : memref<10000x128xf32, #tpu.memory_space<hbm>> -> memref<10000x128xf32, #tpu.memory_space<hbm>>
          tpu.enqueue_indirect_dma source(%dma_start3A_241 : memref<10000x128xf32, #tpu.memory_space<hbm>>) target(%arg20 : memref<80x128xf32, #tpu.memory_space<vmem>>) offsets(%arg8 : memref<80xi32, #tpu.memory_space<vmem>>) semaphore(%arg24 : memref<!tpu.dma_semaphore, #tpu.memory_space<semaphore_mem>>)
        } else {
        }
        %add3A_228 = arith.constant 4 : i32
        %add3A_229 = arith.addi %scan3A_91, %add3A_228 : i32
        %lt3A_230 = arith.constant 125 : i32
        %lt3A_231 = arith.cmpi slt, %add3A_229, %lt3A_230 : i32
        %convert_element_type3A_232 = arith.extui %lt3A_231 : i1 to i32
        %cond3A_233 = arith.constant 0 : i32
        %cond3A_234 = arith.cmpi ne, %convert_element_type3A_232, %cond3A_233 : i32
        scf.if %cond3A_234 {
          %add3A_235 = arith.constant 4 : i32
          %add3A_236 = arith.addi %scan3A_91, %add3A_235 : i32
          %mul3A_237 = arith.constant 80 : i32
          %mul3A_238 = arith.muli %add3A_236, %mul3A_237 : i32
          %add3A_239 = arith.addi %mul3A_3, %mul3A_238 : i32
          %dma_start3A_240 = tpu.memref_slice %arg3[%add3A_239] : memref<320000xi32, #tpu.memory_space<hbm>> -> memref<80xi32, #tpu.memory_space<hbm>>
          %dma_start3A_241 = tpu.memref_slice %arg3[%add3A_239] : memref<320000xi32, #tpu.memory_space<hbm>> -> memref<80xi32, #tpu.memory_space<hbm>>
          tpu.enqueue_dma source(%dma_start3A_241 : memref<80xi32, #tpu.memory_space<hbm>>) target(%arg10 : memref<80xi32, #tpu.memory_space<vmem>>) target_semaphore(%arg32 : memref<!tpu.dma_semaphore, #tpu.memory_space<semaphore_mem>>)
          %dma_start3A_242 = tpu.memref_slice %arg4[%add3A_239] : memref<320000xi32, #tpu.memory_space<hbm>> -> memref<80xi32, #tpu.memory_space<hbm>>
          %dma_start3A_243 = tpu.memref_slice %arg4[%add3A_239] : memref<320000xi32, #tpu.memory_space<hbm>> -> memref<80xi32, #tpu.memory_space<hbm>>
          tpu.enqueue_dma source(%dma_start3A_243 : memref<80xi32, #tpu.memory_space<hbm>>) target(%arg16 : memref<80xi32, #tpu.memory_space<vmem>>) target_semaphore(%arg32 : memref<!tpu.dma_semaphore, #tpu.memory_space<semaphore_mem>>)
        } else {
        }
      } else {
      }
      %jit3A_105 = arith.constant 6 : i32
      %eq3A_106 = arith.constant 0 : i32
      %eq3A_107 = arith.cmpi eq, %jit3A_105, %eq3A_106 : i32
      %jit3A_108 = arith.constant 1 : i32
      %select_n3A_109 = arith.select %eq3A_107, %jit3A_108, %jit3A_105 : i32
      %rem3A_110 = arith.remsi %scan3A_91, %select_n3A_109 : i32
      %ne3A_111 = arith.constant 0 : i32
      %ne3A_112 = arith.cmpi ne, %rem3A_110, %ne3A_111 : i32
      %lt3A_113 = arith.constant 0 : i32
      %lt3A_114 = arith.cmpi slt, %rem3A_110, %lt3A_113 : i32
      %lt3A_115 = arith.constant 0 : i32
      %lt3A_116 = arith.cmpi slt, %select_n3A_109, %lt3A_115 : i32
      %ne3A_117 = arith.xori %lt3A_114, %lt3A_116 : i1
      %and3A_118 = arith.andi %ne3A_117, %ne3A_112 : i1
      %add3A_119 = arith.addi %rem3A_110, %select_n3A_109 : i32
      %select_n3A_120 = arith.select %and3A_118, %add3A_119, %rem3A_110 : i32
      %eq3A_121 = arith.constant 1 : i32
      %eq3A_122 = arith.cmpi eq, %select_n3A_120, %eq3A_121 : i32
      %convert_element_type3A_123 = arith.extui %eq3A_122 : i1 to i32
      %cond3A_124 = arith.constant 0 : i32
      %cond3A_125 = arith.cmpi ne, %convert_element_type3A_123, %cond3A_124 : i32
      scf.if %cond3A_125 {
        %dma_wait3A_211 = arith.constant 0 : i32
        %dma_wait3A_212 = arith.constant 0 : i32
        %dma_wait3A_213 = tpu.memref_slice %arg2[%dma_wait3A_211, %dma_wait3A_212] : memref<10000x128xf32, #tpu.memory_space<hbm>> -> memref<10000x128xf32, #tpu.memory_space<hbm>>
        tpu.wait_indirect_dma semaphore(%arg23 : memref<!tpu.dma_semaphore, #tpu.memory_space<semaphore_mem>>) src(%dma_wait3A_213 : memref<10000x128xf32, #tpu.memory_space<hbm>>) dst(%arg19 : memref<80x128xf32, #tpu.memory_space<vmem>>)
        %dma_start3A_214 = arith.constant 0 : i32
        %dma_start3A_215 = arith.constant 0 : i32
        %dma_start3A_216 = tpu.memref_slice %arg21[%dma_start3A_214, %dma_start3A_215] : memref<10240x128xf32, #tpu.memory_space<vmem_shared>> -> memref<10240x128xf32, #tpu.memory_space<vmem_shared>>
        tpu.enqueue_indirect_dma source(%arg19 : memref<80x128xf32, #tpu.memory_space<vmem>>) target(%dma_start3A_216 : memref<10240x128xf32, #tpu.memory_space<vmem_shared>>) offsets(%arg13 : memref<80xi32, #tpu.memory_space<vmem>>) semaphore(%arg26 : memref<!tpu.dma_semaphore, #tpu.memory_space<semaphore_mem>>) {add = true}
        %ge3A = arith.constant 1 : i32
        %ge3A_217 = arith.cmpi sge, %scan3A_91, %ge3A : i32
        %convert_element_type3A_218 = arith.extui %ge3A_217 : i1 to i32
        %cond3A_219 = arith.constant 0 : i32
        %cond3A_220 = arith.cmpi ne, %convert_element_type3A_218, %cond3A_219 : i32
        scf.if %cond3A_220 {
          %dma_wait3A_235 = arith.constant 0 : i32
          %dma_wait3A_236 = arith.constant 0 : i32
          %dma_wait3A_237 = tpu.memref_slice %arg21[%dma_wait3A_235, %dma_wait3A_236] : memref<10240x128xf32, #tpu.memory_space<vmem_shared>> -> memref<10240x128xf32, #tpu.memory_space<vmem_shared>>
          tpu.wait_indirect_dma semaphore(%arg25 : memref<!tpu.dma_semaphore, #tpu.memory_space<semaphore_mem>>) src(%arg18 : memref<80x128xf32, #tpu.memory_space<vmem>>) dst(%dma_wait3A_237 : memref<10240x128xf32, #tpu.memory_space<vmem_shared>>)
        } else {
        }
        %add3A_221 = arith.constant 2 : i32
        %add3A_222 = arith.addi %scan3A_91, %add3A_221 : i32
        %lt3A_223 = arith.constant 125 : i32
        %lt3A_224 = arith.cmpi slt, %add3A_222, %lt3A_223 : i32
        %convert_element_type3A_225 = arith.extui %lt3A_224 : i1 to i32
        %cond3A_226 = arith.constant 0 : i32
        %cond3A_227 = arith.cmpi ne, %convert_element_type3A_225, %cond3A_226 : i32
        scf.if %cond3A_227 {
          %dma_wait3A_235 = tpu.memref_slice %arg3[%mul3A_3] : memref<320000xi32, #tpu.memory_space<hbm>> -> memref<80xi32, #tpu.memory_space<hbm>>
          %dma_wait3A_236 = tpu.memref_slice %arg3[%mul3A_3] : memref<320000xi32, #tpu.memory_space<hbm>> -> memref<80xi32, #tpu.memory_space<hbm>>
          tpu.wait_dma2 semaphore(%arg31 : memref<!tpu.dma_semaphore, #tpu.memory_space<semaphore_mem>>) src(%dma_wait3A_236 : memref<80xi32, #tpu.memory_space<hbm>>) dst(%arg9 : memref<80xi32, #tpu.memory_space<vmem>>)
          %dma_wait3A_237 = tpu.memref_slice %arg4[%mul3A_3] : memref<320000xi32, #tpu.memory_space<hbm>> -> memref<80xi32, #tpu.memory_space<hbm>>
          %dma_wait3A_238 = tpu.memref_slice %arg4[%mul3A_3] : memref<320000xi32, #tpu.memory_space<hbm>> -> memref<80xi32, #tpu.memory_space<hbm>>
          tpu.wait_dma2 semaphore(%arg31 : memref<!tpu.dma_semaphore, #tpu.memory_space<semaphore_mem>>) src(%dma_wait3A_238 : memref<80xi32, #tpu.memory_space<hbm>>) dst(%arg15 : memref<80xi32, #tpu.memory_space<vmem>>)
          %dma_start3A_239 = arith.constant 0 : i32
          %dma_start3A_240 = arith.constant 0 : i32
          %dma_start3A_241 = tpu.memref_slice %arg2[%dma_start3A_239, %dma_start3A_240] : memref<10000x128xf32, #tpu.memory_space<hbm>> -> memref<10000x128xf32, #tpu.memory_space<hbm>>
          tpu.enqueue_indirect_dma source(%dma_start3A_241 : memref<10000x128xf32, #tpu.memory_space<hbm>>) target(%arg18 : memref<80x128xf32, #tpu.memory_space<vmem>>) offsets(%arg9 : memref<80xi32, #tpu.memory_space<vmem>>) semaphore(%arg22 : memref<!tpu.dma_semaphore, #tpu.memory_space<semaphore_mem>>)
        } else {
        }
        %add3A_228 = arith.constant 4 : i32
        %add3A_229 = arith.addi %scan3A_91, %add3A_228 : i32
        %lt3A_230 = arith.constant 125 : i32
        %lt3A_231 = arith.cmpi slt, %add3A_229, %lt3A_230 : i32
        %convert_element_type3A_232 = arith.extui %lt3A_231 : i1 to i32
        %cond3A_233 = arith.constant 0 : i32
        %cond3A_234 = arith.cmpi ne, %convert_element_type3A_232, %cond3A_233 : i32
        scf.if %cond3A_234 {
          %add3A_235 = arith.constant 4 : i32
          %add3A_236 = arith.addi %scan3A_91, %add3A_235 : i32
          %mul3A_237 = arith.constant 80 : i32
          %mul3A_238 = arith.muli %add3A_236, %mul3A_237 : i32
          %add3A_239 = arith.addi %mul3A_3, %mul3A_238 : i32
          %dma_start3A_240 = tpu.memref_slice %arg3[%add3A_239] : memref<320000xi32, #tpu.memory_space<hbm>> -> memref<80xi32, #tpu.memory_space<hbm>>
          %dma_start3A_241 = tpu.memref_slice %arg3[%add3A_239] : memref<320000xi32, #tpu.memory_space<hbm>> -> memref<80xi32, #tpu.memory_space<hbm>>
          tpu.enqueue_dma source(%dma_start3A_241 : memref<80xi32, #tpu.memory_space<hbm>>) target(%arg11 : memref<80xi32, #tpu.memory_space<vmem>>) target_semaphore(%arg33 : memref<!tpu.dma_semaphore, #tpu.memory_space<semaphore_mem>>)
          %dma_start3A_242 = tpu.memref_slice %arg4[%add3A_239] : memref<320000xi32, #tpu.memory_space<hbm>> -> memref<80xi32, #tpu.memory_space<hbm>>
          %dma_start3A_243 = tpu.memref_slice %arg4[%add3A_239] : memref<320000xi32, #tpu.memory_space<hbm>> -> memref<80xi32, #tpu.memory_space<hbm>>
          tpu.enqueue_dma source(%dma_start3A_243 : memref<80xi32, #tpu.memory_space<hbm>>) target(%arg17 : memref<80xi32, #tpu.memory_space<vmem>>) target_semaphore(%arg33 : memref<!tpu.dma_semaphore, #tpu.memory_space<semaphore_mem>>)
        } else {
        }
      } else {
      }
      %jit3A_126 = arith.constant 6 : i32
      %eq3A_127 = arith.constant 0 : i32
      %eq3A_128 = arith.cmpi eq, %jit3A_126, %eq3A_127 : i32
      %jit3A_129 = arith.constant 1 : i32
      %select_n3A_130 = arith.select %eq3A_128, %jit3A_129, %jit3A_126 : i32
      %rem3A_131 = arith.remsi %scan3A_91, %select_n3A_130 : i32
      %ne3A_132 = arith.constant 0 : i32
      %ne3A_133 = arith.cmpi ne, %rem3A_131, %ne3A_132 : i32
      %lt3A_134 = arith.constant 0 : i32
      %lt3A_135 = arith.cmpi slt, %rem3A_131, %lt3A_134 : i32
      %lt3A_136 = arith.constant 0 : i32
      %lt3A_137 = arith.cmpi slt, %select_n3A_130, %lt3A_136 : i32
      %ne3A_138 = arith.xori %lt3A_135, %lt3A_137 : i1
      %and3A_139 = arith.andi %ne3A_138, %ne3A_133 : i1
      %add3A_140 = arith.addi %rem3A_131, %select_n3A_130 : i32
      %select_n3A_141 = arith.select %and3A_139, %add3A_140, %rem3A_131 : i32
      %eq3A_142 = arith.constant 2 : i32
      %eq3A_143 = arith.cmpi eq, %select_n3A_141, %eq3A_142 : i32
      %convert_element_type3A_144 = arith.extui %eq3A_143 : i1 to i32
      %cond3A_145 = arith.constant 0 : i32
      %cond3A_146 = arith.cmpi ne, %convert_element_type3A_144, %cond3A_145 : i32
      scf.if %cond3A_146 {
        %dma_wait3A_211 = arith.constant 0 : i32
        %dma_wait3A_212 = arith.constant 0 : i32
        %dma_wait3A_213 = tpu.memref_slice %arg2[%dma_wait3A_211, %dma_wait3A_212] : memref<10000x128xf32, #tpu.memory_space<hbm>> -> memref<10000x128xf32, #tpu.memory_space<hbm>>
        tpu.wait_indirect_dma semaphore(%arg24 : memref<!tpu.dma_semaphore, #tpu.memory_space<semaphore_mem>>) src(%dma_wait3A_213 : memref<10000x128xf32, #tpu.memory_space<hbm>>) dst(%arg20 : memref<80x128xf32, #tpu.memory_space<vmem>>)
        %dma_start3A_214 = arith.constant 0 : i32
        %dma_start3A_215 = arith.constant 0 : i32
        %dma_start3A_216 = tpu.memref_slice %arg21[%dma_start3A_214, %dma_start3A_215] : memref<10240x128xf32, #tpu.memory_space<vmem_shared>> -> memref<10240x128xf32, #tpu.memory_space<vmem_shared>>
        tpu.enqueue_indirect_dma source(%arg20 : memref<80x128xf32, #tpu.memory_space<vmem>>) target(%dma_start3A_216 : memref<10240x128xf32, #tpu.memory_space<vmem_shared>>) offsets(%arg14 : memref<80xi32, #tpu.memory_space<vmem>>) semaphore(%arg27 : memref<!tpu.dma_semaphore, #tpu.memory_space<semaphore_mem>>) {add = true}
        %ge3A = arith.constant 1 : i32
        %ge3A_217 = arith.cmpi sge, %scan3A_91, %ge3A : i32
        %convert_element_type3A_218 = arith.extui %ge3A_217 : i1 to i32
        %cond3A_219 = arith.constant 0 : i32
        %cond3A_220 = arith.cmpi ne, %convert_element_type3A_218, %cond3A_219 : i32
        scf.if %cond3A_220 {
          %dma_wait3A_235 = arith.constant 0 : i32
          %dma_wait3A_236 = arith.constant 0 : i32
          %dma_wait3A_237 = tpu.memref_slice %arg21[%dma_wait3A_235, %dma_wait3A_236] : memref<10240x128xf32, #tpu.memory_space<vmem_shared>> -> memref<10240x128xf32, #tpu.memory_space<vmem_shared>>
          tpu.wait_indirect_dma semaphore(%arg26 : memref<!tpu.dma_semaphore, #tpu.memory_space<semaphore_mem>>) src(%arg19 : memref<80x128xf32, #tpu.memory_space<vmem>>) dst(%dma_wait3A_237 : memref<10240x128xf32, #tpu.memory_space<vmem_shared>>)
        } else {
        }
        %add3A_221 = arith.constant 2 : i32
        %add3A_222 = arith.addi %scan3A_91, %add3A_221 : i32
        %lt3A_223 = arith.constant 125 : i32
        %lt3A_224 = arith.cmpi slt, %add3A_222, %lt3A_223 : i32
        %convert_element_type3A_225 = arith.extui %lt3A_224 : i1 to i32
        %cond3A_226 = arith.constant 0 : i32
        %cond3A_227 = arith.cmpi ne, %convert_element_type3A_225, %cond3A_226 : i32
        scf.if %cond3A_227 {
          %dma_wait3A_235 = tpu.memref_slice %arg3[%mul3A_3] : memref<320000xi32, #tpu.memory_space<hbm>> -> memref<80xi32, #tpu.memory_space<hbm>>
          %dma_wait3A_236 = tpu.memref_slice %arg3[%mul3A_3] : memref<320000xi32, #tpu.memory_space<hbm>> -> memref<80xi32, #tpu.memory_space<hbm>>
          tpu.wait_dma2 semaphore(%arg32 : memref<!tpu.dma_semaphore, #tpu.memory_space<semaphore_mem>>) src(%dma_wait3A_236 : memref<80xi32, #tpu.memory_space<hbm>>) dst(%arg10 : memref<80xi32, #tpu.memory_space<vmem>>)
          %dma_wait3A_237 = tpu.memref_slice %arg4[%mul3A_3] : memref<320000xi32, #tpu.memory_space<hbm>> -> memref<80xi32, #tpu.memory_space<hbm>>
          %dma_wait3A_238 = tpu.memref_slice %arg4[%mul3A_3] : memref<320000xi32, #tpu.memory_space<hbm>> -> memref<80xi32, #tpu.memory_space<hbm>>
          tpu.wait_dma2 semaphore(%arg32 : memref<!tpu.dma_semaphore, #tpu.memory_space<semaphore_mem>>) src(%dma_wait3A_238 : memref<80xi32, #tpu.memory_space<hbm>>) dst(%arg16 : memref<80xi32, #tpu.memory_space<vmem>>)
          %dma_start3A_239 = arith.constant 0 : i32
          %dma_start3A_240 = arith.constant 0 : i32
          %dma_start3A_241 = tpu.memref_slice %arg2[%dma_start3A_239, %dma_start3A_240] : memref<10000x128xf32, #tpu.memory_space<hbm>> -> memref<10000x128xf32, #tpu.memory_space<hbm>>
          tpu.enqueue_indirect_dma source(%dma_start3A_241 : memref<10000x128xf32, #tpu.memory_space<hbm>>) target(%arg19 : memref<80x128xf32, #tpu.memory_space<vmem>>) offsets(%arg10 : memref<80xi32, #tpu.memory_space<vmem>>) semaphore(%arg23 : memref<!tpu.dma_semaphore, #tpu.memory_space<semaphore_mem>>)
        } else {
        }
        %add3A_228 = arith.constant 4 : i32
        %add3A_229 = arith.addi %scan3A_91, %add3A_228 : i32
        %lt3A_230 = arith.constant 125 : i32
        %lt3A_231 = arith.cmpi slt, %add3A_229, %lt3A_230 : i32
        %convert_element_type3A_232 = arith.extui %lt3A_231 : i1 to i32
        %cond3A_233 = arith.constant 0 : i32
        %cond3A_234 = arith.cmpi ne, %convert_element_type3A_232, %cond3A_233 : i32
        scf.if %cond3A_234 {
          %add3A_235 = arith.constant 4 : i32
          %add3A_236 = arith.addi %scan3A_91, %add3A_235 : i32
          %mul3A_237 = arith.constant 80 : i32
          %mul3A_238 = arith.muli %add3A_236, %mul3A_237 : i32
          %add3A_239 = arith.addi %mul3A_3, %mul3A_238 : i32
          %dma_start3A_240 = tpu.memref_slice %arg3[%add3A_239] : memref<320000xi32, #tpu.memory_space<hbm>> -> memref<80xi32, #tpu.memory_space<hbm>>
          %dma_start3A_241 = tpu.memref_slice %arg3[%add3A_239] : memref<320000xi32, #tpu.memory_space<hbm>> -> memref<80xi32, #tpu.memory_space<hbm>>
          tpu.enqueue_dma source(%dma_start3A_241 : memref<80xi32, #tpu.memory_space<hbm>>) target(%arg6 : memref<80xi32, #tpu.memory_space<vmem>>) target_semaphore(%arg28 : memref<!tpu.dma_semaphore, #tpu.memory_space<semaphore_mem>>)
          %dma_start3A_242 = tpu.memref_slice %arg4[%add3A_239] : memref<320000xi32, #tpu.memory_space<hbm>> -> memref<80xi32, #tpu.memory_space<hbm>>
          %dma_start3A_243 = tpu.memref_slice %arg4[%add3A_239] : memref<320000xi32, #tpu.memory_space<hbm>> -> memref<80xi32, #tpu.memory_space<hbm>>
          tpu.enqueue_dma source(%dma_start3A_243 : memref<80xi32, #tpu.memory_space<hbm>>) target(%arg12 : memref<80xi32, #tpu.memory_space<vmem>>) target_semaphore(%arg28 : memref<!tpu.dma_semaphore, #tpu.memory_space<semaphore_mem>>)
        } else {
        }
      } else {
      }
      %jit3A_147 = arith.constant 6 : i32
      %eq3A_148 = arith.constant 0 : i32
      %eq3A_149 = arith.cmpi eq, %jit3A_147, %eq3A_148 : i32
      %jit3A_150 = arith.constant 1 : i32
      %select_n3A_151 = arith.select %eq3A_149, %jit3A_150, %jit3A_147 : i32
      %rem3A_152 = arith.remsi %scan3A_91, %select_n3A_151 : i32
      %ne3A_153 = arith.constant 0 : i32
      %ne3A_154 = arith.cmpi ne, %rem3A_152, %ne3A_153 : i32
      %lt3A_155 = arith.constant 0 : i32
      %lt3A_156 = arith.cmpi slt, %rem3A_152, %lt3A_155 : i32
      %lt3A_157 = arith.constant 0 : i32
      %lt3A_158 = arith.cmpi slt, %select_n3A_151, %lt3A_157 : i32
      %ne3A_159 = arith.xori %lt3A_156, %lt3A_158 : i1
      %and3A_160 = arith.andi %ne3A_159, %ne3A_154 : i1
      %add3A_161 = arith.addi %rem3A_152, %select_n3A_151 : i32
      %select_n3A_162 = arith.select %and3A_160, %add3A_161, %rem3A_152 : i32
      %eq3A_163 = arith.constant 3 : i32
      %eq3A_164 = arith.cmpi eq, %select_n3A_162, %eq3A_163 : i32
      %convert_element_type3A_165 = arith.extui %eq3A_164 : i1 to i32
      %cond3A_166 = arith.constant 0 : i32
      %cond3A_167 = arith.cmpi ne, %convert_element_type3A_165, %cond3A_166 : i32
      scf.if %cond3A_167 {
        %dma_wait3A_211 = arith.constant 0 : i32
        %dma_wait3A_212 = arith.constant 0 : i32
        %dma_wait3A_213 = tpu.memref_slice %arg2[%dma_wait3A_211, %dma_wait3A_212] : memref<10000x128xf32, #tpu.memory_space<hbm>> -> memref<10000x128xf32, #tpu.memory_space<hbm>>
        tpu.wait_indirect_dma semaphore(%arg22 : memref<!tpu.dma_semaphore, #tpu.memory_space<semaphore_mem>>) src(%dma_wait3A_213 : memref<10000x128xf32, #tpu.memory_space<hbm>>) dst(%arg18 : memref<80x128xf32, #tpu.memory_space<vmem>>)
        %dma_start3A_214 = arith.constant 0 : i32
        %dma_start3A_215 = arith.constant 0 : i32
        %dma_start3A_216 = tpu.memref_slice %arg21[%dma_start3A_214, %dma_start3A_215] : memref<10240x128xf32, #tpu.memory_space<vmem_shared>> -> memref<10240x128xf32, #tpu.memory_space<vmem_shared>>
        tpu.enqueue_indirect_dma source(%arg18 : memref<80x128xf32, #tpu.memory_space<vmem>>) target(%dma_start3A_216 : memref<10240x128xf32, #tpu.memory_space<vmem_shared>>) offsets(%arg15 : memref<80xi32, #tpu.memory_space<vmem>>) semaphore(%arg25 : memref<!tpu.dma_semaphore, #tpu.memory_space<semaphore_mem>>) {add = true}
        %ge3A = arith.constant 1 : i32
        %ge3A_217 = arith.cmpi sge, %scan3A_91, %ge3A : i32
        %convert_element_type3A_218 = arith.extui %ge3A_217 : i1 to i32
        %cond3A_219 = arith.constant 0 : i32
        %cond3A_220 = arith.cmpi ne, %convert_element_type3A_218, %cond3A_219 : i32
        scf.if %cond3A_220 {
          %dma_wait3A_235 = arith.constant 0 : i32
          %dma_wait3A_236 = arith.constant 0 : i32
          %dma_wait3A_237 = tpu.memref_slice %arg21[%dma_wait3A_235, %dma_wait3A_236] : memref<10240x128xf32, #tpu.memory_space<vmem_shared>> -> memref<10240x128xf32, #tpu.memory_space<vmem_shared>>
          tpu.wait_indirect_dma semaphore(%arg27 : memref<!tpu.dma_semaphore, #tpu.memory_space<semaphore_mem>>) src(%arg20 : memref<80x128xf32, #tpu.memory_space<vmem>>) dst(%dma_wait3A_237 : memref<10240x128xf32, #tpu.memory_space<vmem_shared>>)
        } else {
        }
        %add3A_221 = arith.constant 2 : i32
        %add3A_222 = arith.addi %scan3A_91, %add3A_221 : i32
        %lt3A_223 = arith.constant 125 : i32
        %lt3A_224 = arith.cmpi slt, %add3A_222, %lt3A_223 : i32
        %convert_element_type3A_225 = arith.extui %lt3A_224 : i1 to i32
        %cond3A_226 = arith.constant 0 : i32
        %cond3A_227 = arith.cmpi ne, %convert_element_type3A_225, %cond3A_226 : i32
        scf.if %cond3A_227 {
          %dma_wait3A_235 = tpu.memref_slice %arg3[%mul3A_3] : memref<320000xi32, #tpu.memory_space<hbm>> -> memref<80xi32, #tpu.memory_space<hbm>>
          %dma_wait3A_236 = tpu.memref_slice %arg3[%mul3A_3] : memref<320000xi32, #tpu.memory_space<hbm>> -> memref<80xi32, #tpu.memory_space<hbm>>
          tpu.wait_dma2 semaphore(%arg33 : memref<!tpu.dma_semaphore, #tpu.memory_space<semaphore_mem>>) src(%dma_wait3A_236 : memref<80xi32, #tpu.memory_space<hbm>>) dst(%arg11 : memref<80xi32, #tpu.memory_space<vmem>>)
          %dma_wait3A_237 = tpu.memref_slice %arg4[%mul3A_3] : memref<320000xi32, #tpu.memory_space<hbm>> -> memref<80xi32, #tpu.memory_space<hbm>>
          %dma_wait3A_238 = tpu.memref_slice %arg4[%mul3A_3] : memref<320000xi32, #tpu.memory_space<hbm>> -> memref<80xi32, #tpu.memory_space<hbm>>
          tpu.wait_dma2 semaphore(%arg33 : memref<!tpu.dma_semaphore, #tpu.memory_space<semaphore_mem>>) src(%dma_wait3A_238 : memref<80xi32, #tpu.memory_space<hbm>>) dst(%arg17 : memref<80xi32, #tpu.memory_space<vmem>>)
          %dma_start3A_239 = arith.constant 0 : i32
          %dma_start3A_240 = arith.constant 0 : i32
          %dma_start3A_241 = tpu.memref_slice %arg2[%dma_start3A_239, %dma_start3A_240] : memref<10000x128xf32, #tpu.memory_space<hbm>> -> memref<10000x128xf32, #tpu.memory_space<hbm>>
          tpu.enqueue_indirect_dma source(%dma_start3A_241 : memref<10000x128xf32, #tpu.memory_space<hbm>>) target(%arg20 : memref<80x128xf32, #tpu.memory_space<vmem>>) offsets(%arg11 : memref<80xi32, #tpu.memory_space<vmem>>) semaphore(%arg24 : memref<!tpu.dma_semaphore, #tpu.memory_space<semaphore_mem>>)
        } else {
        }
        %add3A_228 = arith.constant 4 : i32
        %add3A_229 = arith.addi %scan3A_91, %add3A_228 : i32
        %lt3A_230 = arith.constant 125 : i32
        %lt3A_231 = arith.cmpi slt, %add3A_229, %lt3A_230 : i32
        %convert_element_type3A_232 = arith.extui %lt3A_231 : i1 to i32
        %cond3A_233 = arith.constant 0 : i32
        %cond3A_234 = arith.cmpi ne, %convert_element_type3A_232, %cond3A_233 : i32
        scf.if %cond3A_234 {
          %add3A_235 = arith.constant 4 : i32
          %add3A_236 = arith.addi %scan3A_91, %add3A_235 : i32
          %mul3A_237 = arith.constant 80 : i32
          %mul3A_238 = arith.muli %add3A_236, %mul3A_237 : i32
          %add3A_239 = arith.addi %mul3A_3, %mul3A_238 : i32
          %dma_start3A_240 = tpu.memref_slice %arg3[%add3A_239] : memref<320000xi32, #tpu.memory_space<hbm>> -> memref<80xi32, #tpu.memory_space<hbm>>
          %dma_start3A_241 = tpu.memref_slice %arg3[%add3A_239] : memref<320000xi32, #tpu.memory_space<hbm>> -> memref<80xi32, #tpu.memory_space<hbm>>
          tpu.enqueue_dma source(%dma_start3A_241 : memref<80xi32, #tpu.memory_space<hbm>>) target(%arg7 : memref<80xi32, #tpu.memory_space<vmem>>) target_semaphore(%arg29 : memref<!tpu.dma_semaphore, #tpu.memory_space<semaphore_mem>>)
          %dma_start3A_242 = tpu.memref_slice %arg4[%add3A_239] : memref<320000xi32, #tpu.memory_space<hbm>> -> memref<80xi32, #tpu.memory_space<hbm>>
          %dma_start3A_243 = tpu.memref_slice %arg4[%add3A_239] : memref<320000xi32, #tpu.memory_space<hbm>> -> memref<80xi32, #tpu.memory_space<hbm>>
          tpu.enqueue_dma source(%dma_start3A_243 : memref<80xi32, #tpu.memory_space<hbm>>) target(%arg13 : memref<80xi32, #tpu.memory_space<vmem>>) target_semaphore(%arg29 : memref<!tpu.dma_semaphore, #tpu.memory_space<semaphore_mem>>)
        } else {
        }
      } else {
      }
      %jit3A_168 = arith.constant 6 : i32
      %eq3A_169 = arith.constant 0 : i32
      %eq3A_170 = arith.cmpi eq, %jit3A_168, %eq3A_169 : i32
      %jit3A_171 = arith.constant 1 : i32
      %select_n3A_172 = arith.select %eq3A_170, %jit3A_171, %jit3A_168 : i32
      %rem3A_173 = arith.remsi %scan3A_91, %select_n3A_172 : i32
      %ne3A_174 = arith.constant 0 : i32
      %ne3A_175 = arith.cmpi ne, %rem3A_173, %ne3A_174 : i32
      %lt3A_176 = arith.constant 0 : i32
      %lt3A_177 = arith.cmpi slt, %rem3A_173, %lt3A_176 : i32
      %lt3A_178 = arith.constant 0 : i32
      %lt3A_179 = arith.cmpi slt, %select_n3A_172, %lt3A_178 : i32
      %ne3A_180 = arith.xori %lt3A_177, %lt3A_179 : i1
      %and3A_181 = arith.andi %ne3A_180, %ne3A_175 : i1
      %add3A_182 = arith.addi %rem3A_173, %select_n3A_172 : i32
      %select_n3A_183 = arith.select %and3A_181, %add3A_182, %rem3A_173 : i32
      %eq3A_184 = arith.constant 4 : i32
      %eq3A_185 = arith.cmpi eq, %select_n3A_183, %eq3A_184 : i32
      %convert_element_type3A_186 = arith.extui %eq3A_185 : i1 to i32
      %cond3A_187 = arith.constant 0 : i32
      %cond3A_188 = arith.cmpi ne, %convert_element_type3A_186, %cond3A_187 : i32
      scf.if %cond3A_188 {
        %dma_wait3A_211 = arith.constant 0 : i32
        %dma_wait3A_212 = arith.constant 0 : i32
        %dma_wait3A_213 = tpu.memref_slice %arg2[%dma_wait3A_211, %dma_wait3A_212] : memref<10000x128xf32, #tpu.memory_space<hbm>> -> memref<10000x128xf32, #tpu.memory_space<hbm>>
        tpu.wait_indirect_dma semaphore(%arg23 : memref<!tpu.dma_semaphore, #tpu.memory_space<semaphore_mem>>) src(%dma_wait3A_213 : memref<10000x128xf32, #tpu.memory_space<hbm>>) dst(%arg19 : memref<80x128xf32, #tpu.memory_space<vmem>>)
        %dma_start3A_214 = arith.constant 0 : i32
        %dma_start3A_215 = arith.constant 0 : i32
        %dma_start3A_216 = tpu.memref_slice %arg21[%dma_start3A_214, %dma_start3A_215] : memref<10240x128xf32, #tpu.memory_space<vmem_shared>> -> memref<10240x128xf32, #tpu.memory_space<vmem_shared>>
        tpu.enqueue_indirect_dma source(%arg19 : memref<80x128xf32, #tpu.memory_space<vmem>>) target(%dma_start3A_216 : memref<10240x128xf32, #tpu.memory_space<vmem_shared>>) offsets(%arg16 : memref<80xi32, #tpu.memory_space<vmem>>) semaphore(%arg26 : memref<!tpu.dma_semaphore, #tpu.memory_space<semaphore_mem>>) {add = true}
        %ge3A = arith.constant 1 : i32
        %ge3A_217 = arith.cmpi sge, %scan3A_91, %ge3A : i32
        %convert_element_type3A_218 = arith.extui %ge3A_217 : i1 to i32
        %cond3A_219 = arith.constant 0 : i32
        %cond3A_220 = arith.cmpi ne, %convert_element_type3A_218, %cond3A_219 : i32
        scf.if %cond3A_220 {
          %dma_wait3A_235 = arith.constant 0 : i32
          %dma_wait3A_236 = arith.constant 0 : i32
          %dma_wait3A_237 = tpu.memref_slice %arg21[%dma_wait3A_235, %dma_wait3A_236] : memref<10240x128xf32, #tpu.memory_space<vmem_shared>> -> memref<10240x128xf32, #tpu.memory_space<vmem_shared>>
          tpu.wait_indirect_dma semaphore(%arg25 : memref<!tpu.dma_semaphore, #tpu.memory_space<semaphore_mem>>) src(%arg18 : memref<80x128xf32, #tpu.memory_space<vmem>>) dst(%dma_wait3A_237 : memref<10240x128xf32, #tpu.memory_space<vmem_shared>>)
        } else {
        }
        %add3A_221 = arith.constant 2 : i32
        %add3A_222 = arith.addi %scan3A_91, %add3A_221 : i32
        %lt3A_223 = arith.constant 125 : i32
        %lt3A_224 = arith.cmpi slt, %add3A_222, %lt3A_223 : i32
        %convert_element_type3A_225 = arith.extui %lt3A_224 : i1 to i32
        %cond3A_226 = arith.constant 0 : i32
        %cond3A_227 = arith.cmpi ne, %convert_element_type3A_225, %cond3A_226 : i32
        scf.if %cond3A_227 {
          %dma_wait3A_235 = tpu.memref_slice %arg3[%mul3A_3] : memref<320000xi32, #tpu.memory_space<hbm>> -> memref<80xi32, #tpu.memory_space<hbm>>
          %dma_wait3A_236 = tpu.memref_slice %arg3[%mul3A_3] : memref<320000xi32, #tpu.memory_space<hbm>> -> memref<80xi32, #tpu.memory_space<hbm>>
          tpu.wait_dma2 semaphore(%arg28 : memref<!tpu.dma_semaphore, #tpu.memory_space<semaphore_mem>>) src(%dma_wait3A_236 : memref<80xi32, #tpu.memory_space<hbm>>) dst(%arg6 : memref<80xi32, #tpu.memory_space<vmem>>)
          %dma_wait3A_237 = tpu.memref_slice %arg4[%mul3A_3] : memref<320000xi32, #tpu.memory_space<hbm>> -> memref<80xi32, #tpu.memory_space<hbm>>
          %dma_wait3A_238 = tpu.memref_slice %arg4[%mul3A_3] : memref<320000xi32, #tpu.memory_space<hbm>> -> memref<80xi32, #tpu.memory_space<hbm>>
          tpu.wait_dma2 semaphore(%arg28 : memref<!tpu.dma_semaphore, #tpu.memory_space<semaphore_mem>>) src(%dma_wait3A_238 : memref<80xi32, #tpu.memory_space<hbm>>) dst(%arg12 : memref<80xi32, #tpu.memory_space<vmem>>)
          %dma_start3A_239 = arith.constant 0 : i32
          %dma_start3A_240 = arith.constant 0 : i32
          %dma_start3A_241 = tpu.memref_slice %arg2[%dma_start3A_239, %dma_start3A_240] : memref<10000x128xf32, #tpu.memory_space<hbm>> -> memref<10000x128xf32, #tpu.memory_space<hbm>>
          tpu.enqueue_indirect_dma source(%dma_start3A_241 : memref<10000x128xf32, #tpu.memory_space<hbm>>) target(%arg18 : memref<80x128xf32, #tpu.memory_space<vmem>>) offsets(%arg6 : memref<80xi32, #tpu.memory_space<vmem>>) semaphore(%arg22 : memref<!tpu.dma_semaphore, #tpu.memory_space<semaphore_mem>>)
        } else {
        }
        %add3A_228 = arith.constant 4 : i32
        %add3A_229 = arith.addi %scan3A_91, %add3A_228 : i32
        %lt3A_230 = arith.constant 125 : i32
        %lt3A_231 = arith.cmpi slt, %add3A_229, %lt3A_230 : i32
        %convert_element_type3A_232 = arith.extui %lt3A_231 : i1 to i32
        %cond3A_233 = arith.constant 0 : i32
        %cond3A_234 = arith.cmpi ne, %convert_element_type3A_232, %cond3A_233 : i32
        scf.if %cond3A_234 {
          %add3A_235 = arith.constant 4 : i32
          %add3A_236 = arith.addi %scan3A_91, %add3A_235 : i32
          %mul3A_237 = arith.constant 80 : i32
          %mul3A_238 = arith.muli %add3A_236, %mul3A_237 : i32
          %add3A_239 = arith.addi %mul3A_3, %mul3A_238 : i32
          %dma_start3A_240 = tpu.memref_slice %arg3[%add3A_239] : memref<320000xi32, #tpu.memory_space<hbm>> -> memref<80xi32, #tpu.memory_space<hbm>>
          %dma_start3A_241 = tpu.memref_slice %arg3[%add3A_239] : memref<320000xi32, #tpu.memory_space<hbm>> -> memref<80xi32, #tpu.memory_space<hbm>>
          tpu.enqueue_dma source(%dma_start3A_241 : memref<80xi32, #tpu.memory_space<hbm>>) target(%arg8 : memref<80xi32, #tpu.memory_space<vmem>>) target_semaphore(%arg30 : memref<!tpu.dma_semaphore, #tpu.memory_space<semaphore_mem>>)
          %dma_start3A_242 = tpu.memref_slice %arg4[%add3A_239] : memref<320000xi32, #tpu.memory_space<hbm>> -> memref<80xi32, #tpu.memory_space<hbm>>
          %dma_start3A_243 = tpu.memref_slice %arg4[%add3A_239] : memref<320000xi32, #tpu.memory_space<hbm>> -> memref<80xi32, #tpu.memory_space<hbm>>
          tpu.enqueue_dma source(%dma_start3A_243 : memref<80xi32, #tpu.memory_space<hbm>>) target(%arg14 : memref<80xi32, #tpu.memory_space<vmem>>) target_semaphore(%arg30 : memref<!tpu.dma_semaphore, #tpu.memory_space<semaphore_mem>>)
        } else {
        }
      } else {
      }
      %jit3A_189 = arith.constant 6 : i32
      %eq3A_190 = arith.constant 0 : i32
      %eq3A_191 = arith.cmpi eq, %jit3A_189, %eq3A_190 : i32
      %jit3A_192 = arith.constant 1 : i32
      %select_n3A_193 = arith.select %eq3A_191, %jit3A_192, %jit3A_189 : i32
      %rem3A_194 = arith.remsi %scan3A_91, %select_n3A_193 : i32
      %ne3A_195 = arith.constant 0 : i32
      %ne3A_196 = arith.cmpi ne, %rem3A_194, %ne3A_195 : i32
      %lt3A_197 = arith.constant 0 : i32
      %lt3A_198 = arith.cmpi slt, %rem3A_194, %lt3A_197 : i32
      %lt3A_199 = arith.constant 0 : i32
      %lt3A_200 = arith.cmpi slt, %select_n3A_193, %lt3A_199 : i32
      %ne3A_201 = arith.xori %lt3A_198, %lt3A_200 : i1
      %and3A_202 = arith.andi %ne3A_201, %ne3A_196 : i1
      %add3A_203 = arith.addi %rem3A_194, %select_n3A_193 : i32
      %select_n3A_204 = arith.select %and3A_202, %add3A_203, %rem3A_194 : i32
      %eq3A_205 = arith.constant 5 : i32
      %eq3A_206 = arith.cmpi eq, %select_n3A_204, %eq3A_205 : i32
      %convert_element_type3A_207 = arith.extui %eq3A_206 : i1 to i32
      %cond3A_208 = arith.constant 0 : i32
      %cond3A_209 = arith.cmpi ne, %convert_element_type3A_207, %cond3A_208 : i32
      scf.if %cond3A_209 {
        %dma_wait3A_211 = arith.constant 0 : i32
        %dma_wait3A_212 = arith.constant 0 : i32
        %dma_wait3A_213 = tpu.memref_slice %arg2[%dma_wait3A_211, %dma_wait3A_212] : memref<10000x128xf32, #tpu.memory_space<hbm>> -> memref<10000x128xf32, #tpu.memory_space<hbm>>
        tpu.wait_indirect_dma semaphore(%arg24 : memref<!tpu.dma_semaphore, #tpu.memory_space<semaphore_mem>>) src(%dma_wait3A_213 : memref<10000x128xf32, #tpu.memory_space<hbm>>) dst(%arg20 : memref<80x128xf32, #tpu.memory_space<vmem>>)
        %dma_start3A_214 = arith.constant 0 : i32
        %dma_start3A_215 = arith.constant 0 : i32
        %dma_start3A_216 = tpu.memref_slice %arg21[%dma_start3A_214, %dma_start3A_215] : memref<10240x128xf32, #tpu.memory_space<vmem_shared>> -> memref<10240x128xf32, #tpu.memory_space<vmem_shared>>
        tpu.enqueue_indirect_dma source(%arg20 : memref<80x128xf32, #tpu.memory_space<vmem>>) target(%dma_start3A_216 : memref<10240x128xf32, #tpu.memory_space<vmem_shared>>) offsets(%arg17 : memref<80xi32, #tpu.memory_space<vmem>>) semaphore(%arg27 : memref<!tpu.dma_semaphore, #tpu.memory_space<semaphore_mem>>) {add = true}
        %ge3A = arith.constant 1 : i32
        %ge3A_217 = arith.cmpi sge, %scan3A_91, %ge3A : i32
        %convert_element_type3A_218 = arith.extui %ge3A_217 : i1 to i32
        %cond3A_219 = arith.constant 0 : i32
        %cond3A_220 = arith.cmpi ne, %convert_element_type3A_218, %cond3A_219 : i32
        scf.if %cond3A_220 {
          %dma_wait3A_235 = arith.constant 0 : i32
          %dma_wait3A_236 = arith.constant 0 : i32
          %dma_wait3A_237 = tpu.memref_slice %arg21[%dma_wait3A_235, %dma_wait3A_236] : memref<10240x128xf32, #tpu.memory_space<vmem_shared>> -> memref<10240x128xf32, #tpu.memory_space<vmem_shared>>
          tpu.wait_indirect_dma semaphore(%arg26 : memref<!tpu.dma_semaphore, #tpu.memory_space<semaphore_mem>>) src(%arg19 : memref<80x128xf32, #tpu.memory_space<vmem>>) dst(%dma_wait3A_237 : memref<10240x128xf32, #tpu.memory_space<vmem_shared>>)
        } else {
        }
        %add3A_221 = arith.constant 2 : i32
        %add3A_222 = arith.addi %scan3A_91, %add3A_221 : i32
        %lt3A_223 = arith.constant 125 : i32
        %lt3A_224 = arith.cmpi slt, %add3A_222, %lt3A_223 : i32
        %convert_element_type3A_225 = arith.extui %lt3A_224 : i1 to i32
        %cond3A_226 = arith.constant 0 : i32
        %cond3A_227 = arith.cmpi ne, %convert_element_type3A_225, %cond3A_226 : i32
        scf.if %cond3A_227 {
          %dma_wait3A_235 = tpu.memref_slice %arg3[%mul3A_3] : memref<320000xi32, #tpu.memory_space<hbm>> -> memref<80xi32, #tpu.memory_space<hbm>>
          %dma_wait3A_236 = tpu.memref_slice %arg3[%mul3A_3] : memref<320000xi32, #tpu.memory_space<hbm>> -> memref<80xi32, #tpu.memory_space<hbm>>
          tpu.wait_dma2 semaphore(%arg29 : memref<!tpu.dma_semaphore, #tpu.memory_space<semaphore_mem>>) src(%dma_wait3A_236 : memref<80xi32, #tpu.memory_space<hbm>>) dst(%arg7 : memref<80xi32, #tpu.memory_space<vmem>>)
          %dma_wait3A_237 = tpu.memref_slice %arg4[%mul3A_3] : memref<320000xi32, #tpu.memory_space<hbm>> -> memref<80xi32, #tpu.memory_space<hbm>>
          %dma_wait3A_238 = tpu.memref_slice %arg4[%mul3A_3] : memref<320000xi32, #tpu.memory_space<hbm>> -> memref<80xi32, #tpu.memory_space<hbm>>
          tpu.wait_dma2 semaphore(%arg29 : memref<!tpu.dma_semaphore, #tpu.memory_space<semaphore_mem>>) src(%dma_wait3A_238 : memref<80xi32, #tpu.memory_space<hbm>>) dst(%arg13 : memref<80xi32, #tpu.memory_space<vmem>>)
          %dma_start3A_239 = arith.constant 0 : i32
          %dma_start3A_240 = arith.constant 0 : i32
          %dma_start3A_241 = tpu.memref_slice %arg2[%dma_start3A_239, %dma_start3A_240] : memref<10000x128xf32, #tpu.memory_space<hbm>> -> memref<10000x128xf32, #tpu.memory_space<hbm>>
          tpu.enqueue_indirect_dma source(%dma_start3A_241 : memref<10000x128xf32, #tpu.memory_space<hbm>>) target(%arg19 : memref<80x128xf32, #tpu.memory_space<vmem>>) offsets(%arg7 : memref<80xi32, #tpu.memory_space<vmem>>) semaphore(%arg23 : memref<!tpu.dma_semaphore, #tpu.memory_space<semaphore_mem>>)
        } else {
        }
        %add3A_228 = arith.constant 4 : i32
        %add3A_229 = arith.addi %scan3A_91, %add3A_228 : i32
        %lt3A_230 = arith.constant 125 : i32
        %lt3A_231 = arith.cmpi slt, %add3A_229, %lt3A_230 : i32
        %convert_element_type3A_232 = arith.extui %lt3A_231 : i1 to i32
        %cond3A_233 = arith.constant 0 : i32
        %cond3A_234 = arith.cmpi ne, %convert_element_type3A_232, %cond3A_233 : i32
        scf.if %cond3A_234 {
          %add3A_235 = arith.constant 4 : i32
          %add3A_236 = arith.addi %scan3A_91, %add3A_235 : i32
          %mul3A_237 = arith.constant 80 : i32
          %mul3A_238 = arith.muli %add3A_236, %mul3A_237 : i32
          %add3A_239 = arith.addi %mul3A_3, %mul3A_238 : i32
          %dma_start3A_240 = tpu.memref_slice %arg3[%add3A_239] : memref<320000xi32, #tpu.memory_space<hbm>> -> memref<80xi32, #tpu.memory_space<hbm>>
          %dma_start3A_241 = tpu.memref_slice %arg3[%add3A_239] : memref<320000xi32, #tpu.memory_space<hbm>> -> memref<80xi32, #tpu.memory_space<hbm>>
          tpu.enqueue_dma source(%dma_start3A_241 : memref<80xi32, #tpu.memory_space<hbm>>) target(%arg9 : memref<80xi32, #tpu.memory_space<vmem>>) target_semaphore(%arg31 : memref<!tpu.dma_semaphore, #tpu.memory_space<semaphore_mem>>)
          %dma_start3A_242 = tpu.memref_slice %arg4[%add3A_239] : memref<320000xi32, #tpu.memory_space<hbm>> -> memref<80xi32, #tpu.memory_space<hbm>>
          %dma_start3A_243 = tpu.memref_slice %arg4[%add3A_239] : memref<320000xi32, #tpu.memory_space<hbm>> -> memref<80xi32, #tpu.memory_space<hbm>>
          tpu.enqueue_dma source(%dma_start3A_243 : memref<80xi32, #tpu.memory_space<hbm>>) target(%arg15 : memref<80xi32, #tpu.memory_space<vmem>>) target_semaphore(%arg31 : memref<!tpu.dma_semaphore, #tpu.memory_space<semaphore_mem>>)
        } else {
        }
      } else {
      }
      %scan3A_210 = arith.constant 0 : i32
      scf.yield %scan3A_210 : i32
    }
    %scan3A_55 = arith.constant 125 : i32
    %dma_wait3A = arith.constant 0 : i32
    %dma_wait3A_56 = arith.constant 0 : i32
    %dma_wait3A_57 = tpu.memref_slice %arg21[%dma_wait3A, %dma_wait3A_56] : memref<10240x128xf32, #tpu.memory_space<vmem_shared>> -> memref<10240x128xf32, #tpu.memory_space<vmem_shared>>
    tpu.wait_indirect_dma semaphore(%arg26 : memref<!tpu.dma_semaphore, #tpu.memory_space<semaphore_mem>>) src(%arg19 : memref<80x128xf32, #tpu.memory_space<vmem>>) dst(%dma_wait3A_57 : memref<10240x128xf32, #tpu.memory_space<vmem_shared>>)
    %barrier3A_58 = arith.constant 0 : index
    tpu.barrier barrier_id(%barrier3A_58)
    %add3A_59 = arith.constant 0 : i32
    %add3A_60 = arith.addi %mul3A_11, %add3A_59 : i32
    %add3A_61 = arith.constant 0 : i32
    %add3A_62 = arith.addi %mul3A_11, %add3A_61 : i32
    "tpu.region"() ({
      %run_scoped3A = tpu.sem_alloc : memref<!tpu.dma_semaphore, #tpu.memory_space<semaphore_mem>>
      %dma_start3A_91 = arith.constant 0 : i32
      %dma_start3A_92 = tpu.memref_slice %arg5[%arg0, %add3A_62, %dma_start3A_91] : memref<2x10240x128xf32, #tpu.memory_space<hbm>> -> memref<1x80x128xf32, #tpu.memory_space<hbm>>
      %dma_start3A_93 = tpu.memref_squeeze %dma_start3A_92 : memref<1x80x128xf32, #tpu.memory_space<hbm>> -> memref<80x128xf32, #tpu.memory_space<hbm>>
      %dma_start3A_94 = arith.constant 0 : i32
      %dma_start3A_95 = tpu.memref_slice %arg21[%add3A_60, %dma_start3A_94] : memref<10240x128xf32, #tpu.memory_space<vmem_shared>> -> memref<80x128xf32, #tpu.memory_space<vmem_shared>>
      tpu.enqueue_dma source(%dma_start3A_95 : memref<80x128xf32, #tpu.memory_space<vmem_shared>>) target(%dma_start3A_93 : memref<80x128xf32, #tpu.memory_space<hbm>>) target_semaphore(%run_scoped3A : memref<!tpu.dma_semaphore, #tpu.memory_space<semaphore_mem>>)
      %dma_wait3A_96 = arith.constant 0 : i32
      %dma_wait3A_97 = tpu.memref_slice %arg5[%arg0, %add3A_62, %dma_wait3A_96] : memref<2x10240x128xf32, #tpu.memory_space<hbm>> -> memref<1x80x128xf32, #tpu.memory_space<hbm>>
      %dma_wait3A_98 = tpu.memref_squeeze %dma_wait3A_97 : memref<1x80x128xf32, #tpu.memory_space<hbm>> -> memref<80x128xf32, #tpu.memory_space<hbm>>
      %dma_wait3A_99 = arith.constant 0 : i32
      %dma_wait3A_100 = tpu.memref_slice %arg21[%add3A_60, %dma_wait3A_99] : memref<10240x128xf32, #tpu.memory_space<vmem_shared>> -> memref<80x128xf32, #tpu.memory_space<vmem_shared>>
      tpu.wait_dma2 semaphore(%run_scoped3A : memref<!tpu.dma_semaphore, #tpu.memory_space<semaphore_mem>>) src(%dma_wait3A_100 : memref<80x128xf32, #tpu.memory_space<vmem_shared>>) dst(%dma_wait3A_98 : memref<80x128xf32, #tpu.memory_space<hbm>>)
      tpu.yield
    }) : () -> ()
    %add3A_63 = arith.constant 80 : i32
    %add3A_64 = arith.addi %mul3A_11, %add3A_63 : i32
    %add3A_65 = arith.constant 80 : i32
    %add3A_66 = arith.addi %mul3A_11, %add3A_65 : i32
    "tpu.region"() ({
      %run_scoped3A = tpu.sem_alloc : memref<!tpu.dma_semaphore, #tpu.memory_space<semaphore_mem>>
      %dma_start3A_91 = arith.constant 0 : i32
      %dma_start3A_92 = tpu.memref_slice %arg5[%arg0, %add3A_66, %dma_start3A_91] : memref<2x10240x128xf32, #tpu.memory_space<hbm>> -> memref<1x80x128xf32, #tpu.memory_space<hbm>>
      %dma_start3A_93 = tpu.memref_squeeze %dma_start3A_92 : memref<1x80x128xf32, #tpu.memory_space<hbm>> -> memref<80x128xf32, #tpu.memory_space<hbm>>
      %dma_start3A_94 = arith.constant 0 : i32
      %dma_start3A_95 = tpu.memref_slice %arg21[%add3A_64, %dma_start3A_94] : memref<10240x128xf32, #tpu.memory_space<vmem_shared>> -> memref<80x128xf32, #tpu.memory_space<vmem_shared>>
      tpu.enqueue_dma source(%dma_start3A_95 : memref<80x128xf32, #tpu.memory_space<vmem_shared>>) target(%dma_start3A_93 : memref<80x128xf32, #tpu.memory_space<hbm>>) target_semaphore(%run_scoped3A : memref<!tpu.dma_semaphore, #tpu.memory_space<semaphore_mem>>)
      %dma_wait3A_96 = arith.constant 0 : i32
      %dma_wait3A_97 = tpu.memref_slice %arg5[%arg0, %add3A_66, %dma_wait3A_96] : memref<2x10240x128xf32, #tpu.memory_space<hbm>> -> memref<1x80x128xf32, #tpu.memory_space<hbm>>
      %dma_wait3A_98 = tpu.memref_squeeze %dma_wait3A_97 : memref<1x80x128xf32, #tpu.memory_space<hbm>> -> memref<80x128xf32, #tpu.memory_space<hbm>>
      %dma_wait3A_99 = arith.constant 0 : i32
      %dma_wait3A_100 = tpu.memref_slice %arg21[%add3A_64, %dma_wait3A_99] : memref<10240x128xf32, #tpu.memory_space<vmem_shared>> -> memref<80x128xf32, #tpu.memory_space<vmem_shared>>
      tpu.wait_dma2 semaphore(%run_scoped3A : memref<!tpu.dma_semaphore, #tpu.memory_space<semaphore_mem>>) src(%dma_wait3A_100 : memref<80x128xf32, #tpu.memory_space<vmem_shared>>) dst(%dma_wait3A_98 : memref<80x128xf32, #tpu.memory_space<hbm>>)
      tpu.yield
    }) : () -> ()
    %add3A_67 = arith.constant 160 : i32
    %add3A_68 = arith.addi %mul3A_11, %add3A_67 : i32
    %add3A_69 = arith.constant 160 : i32
    %add3A_70 = arith.addi %mul3A_11, %add3A_69 : i32
    "tpu.region"() ({
      %run_scoped3A = tpu.sem_alloc : memref<!tpu.dma_semaphore, #tpu.memory_space<semaphore_mem>>
      %dma_start3A_91 = arith.constant 0 : i32
      %dma_start3A_92 = tpu.memref_slice %arg5[%arg0, %add3A_70, %dma_start3A_91] : memref<2x10240x128xf32, #tpu.memory_space<hbm>> -> memref<1x80x128xf32, #tpu.memory_space<hbm>>
      %dma_start3A_93 = tpu.memref_squeeze %dma_start3A_92 : memref<1x80x128xf32, #tpu.memory_space<hbm>> -> memref<80x128xf32, #tpu.memory_space<hbm>>
      %dma_start3A_94 = arith.constant 0 : i32
      %dma_start3A_95 = tpu.memref_slice %arg21[%add3A_68, %dma_start3A_94] : memref<10240x128xf32, #tpu.memory_space<vmem_shared>> -> memref<80x128xf32, #tpu.memory_space<vmem_shared>>
      tpu.enqueue_dma source(%dma_start3A_95 : memref<80x128xf32, #tpu.memory_space<vmem_shared>>) target(%dma_start3A_93 : memref<80x128xf32, #tpu.memory_space<hbm>>) target_semaphore(%run_scoped3A : memref<!tpu.dma_semaphore, #tpu.memory_space<semaphore_mem>>)
      %dma_wait3A_96 = arith.constant 0 : i32
      %dma_wait3A_97 = tpu.memref_slice %arg5[%arg0, %add3A_70, %dma_wait3A_96] : memref<2x10240x128xf32, #tpu.memory_space<hbm>> -> memref<1x80x128xf32, #tpu.memory_space<hbm>>
      %dma_wait3A_98 = tpu.memref_squeeze %dma_wait3A_97 : memref<1x80x128xf32, #tpu.memory_space<hbm>> -> memref<80x128xf32, #tpu.memory_space<hbm>>
      %dma_wait3A_99 = arith.constant 0 : i32
      %dma_wait3A_100 = tpu.memref_slice %arg21[%add3A_68, %dma_wait3A_99] : memref<10240x128xf32, #tpu.memory_space<vmem_shared>> -> memref<80x128xf32, #tpu.memory_space<vmem_shared>>
      tpu.wait_dma2 semaphore(%run_scoped3A : memref<!tpu.dma_semaphore, #tpu.memory_space<semaphore_mem>>) src(%dma_wait3A_100 : memref<80x128xf32, #tpu.memory_space<vmem_shared>>) dst(%dma_wait3A_98 : memref<80x128xf32, #tpu.memory_space<hbm>>)
      tpu.yield
    }) : () -> ()
    %add3A_71 = arith.constant 240 : i32
    %add3A_72 = arith.addi %mul3A_11, %add3A_71 : i32
    %add3A_73 = arith.constant 240 : i32
    %add3A_74 = arith.addi %mul3A_11, %add3A_73 : i32
    "tpu.region"() ({
      %run_scoped3A = tpu.sem_alloc : memref<!tpu.dma_semaphore, #tpu.memory_space<semaphore_mem>>
      %dma_start3A_91 = arith.constant 0 : i32
      %dma_start3A_92 = tpu.memref_slice %arg5[%arg0, %add3A_74, %dma_start3A_91] : memref<2x10240x128xf32, #tpu.memory_space<hbm>> -> memref<1x80x128xf32, #tpu.memory_space<hbm>>
      %dma_start3A_93 = tpu.memref_squeeze %dma_start3A_92 : memref<1x80x128xf32, #tpu.memory_space<hbm>> -> memref<80x128xf32, #tpu.memory_space<hbm>>
      %dma_start3A_94 = arith.constant 0 : i32
      %dma_start3A_95 = tpu.memref_slice %arg21[%add3A_72, %dma_start3A_94] : memref<10240x128xf32, #tpu.memory_space<vmem_shared>> -> memref<80x128xf32, #tpu.memory_space<vmem_shared>>
      tpu.enqueue_dma source(%dma_start3A_95 : memref<80x128xf32, #tpu.memory_space<vmem_shared>>) target(%dma_start3A_93 : memref<80x128xf32, #tpu.memory_space<hbm>>) target_semaphore(%run_scoped3A : memref<!tpu.dma_semaphore, #tpu.memory_space<semaphore_mem>>)
      %dma_wait3A_96 = arith.constant 0 : i32
      %dma_wait3A_97 = tpu.memref_slice %arg5[%arg0, %add3A_74, %dma_wait3A_96] : memref<2x10240x128xf32, #tpu.memory_space<hbm>> -> memref<1x80x128xf32, #tpu.memory_space<hbm>>
      %dma_wait3A_98 = tpu.memref_squeeze %dma_wait3A_97 : memref<1x80x128xf32, #tpu.memory_space<hbm>> -> memref<80x128xf32, #tpu.memory_space<hbm>>
      %dma_wait3A_99 = arith.constant 0 : i32
      %dma_wait3A_100 = tpu.memref_slice %arg21[%add3A_72, %dma_wait3A_99] : memref<10240x128xf32, #tpu.memory_space<vmem_shared>> -> memref<80x128xf32, #tpu.memory_space<vmem_shared>>
      tpu.wait_dma2 semaphore(%run_scoped3A : memref<!tpu.dma_semaphore, #tpu.memory_space<semaphore_mem>>) src(%dma_wait3A_100 : memref<80x128xf32, #tpu.memory_space<vmem_shared>>) dst(%dma_wait3A_98 : memref<80x128xf32, #tpu.memory_space<hbm>>)
      tpu.yield
    }) : () -> ()
    %add3A_75 = arith.constant 320 : i32
    %add3A_76 = arith.addi %mul3A_11, %add3A_75 : i32
    %add3A_77 = arith.constant 320 : i32
    %add3A_78 = arith.addi %mul3A_11, %add3A_77 : i32
    "tpu.region"() ({
      %run_scoped3A = tpu.sem_alloc : memref<!tpu.dma_semaphore, #tpu.memory_space<semaphore_mem>>
      %dma_start3A_91 = arith.constant 0 : i32
      %dma_start3A_92 = tpu.memref_slice %arg5[%arg0, %add3A_78, %dma_start3A_91] : memref<2x10240x128xf32, #tpu.memory_space<hbm>> -> memref<1x80x128xf32, #tpu.memory_space<hbm>>
      %dma_start3A_93 = tpu.memref_squeeze %dma_start3A_92 : memref<1x80x128xf32, #tpu.memory_space<hbm>> -> memref<80x128xf32, #tpu.memory_space<hbm>>
      %dma_start3A_94 = arith.constant 0 : i32
      %dma_start3A_95 = tpu.memref_slice %arg21[%add3A_76, %dma_start3A_94] : memref<10240x128xf32, #tpu.memory_space<vmem_shared>> -> memref<80x128xf32, #tpu.memory_space<vmem_shared>>
      tpu.enqueue_dma source(%dma_start3A_95 : memref<80x128xf32, #tpu.memory_space<vmem_shared>>) target(%dma_start3A_93 : memref<80x128xf32, #tpu.memory_space<hbm>>) target_semaphore(%run_scoped3A : memref<!tpu.dma_semaphore, #tpu.memory_space<semaphore_mem>>)
      %dma_wait3A_96 = arith.constant 0 : i32
      %dma_wait3A_97 = tpu.memref_slice %arg5[%arg0, %add3A_78, %dma_wait3A_96] : memref<2x10240x128xf32, #tpu.memory_space<hbm>> -> memref<1x80x128xf32, #tpu.memory_space<hbm>>
      %dma_wait3A_98 = tpu.memref_squeeze %dma_wait3A_97 : memref<1x80x128xf32, #tpu.memory_space<hbm>> -> memref<80x128xf32, #tpu.memory_space<hbm>>
      %dma_wait3A_99 = arith.constant 0 : i32
      %dma_wait3A_100 = tpu.memref_slice %arg21[%add3A_76, %dma_wait3A_99] : memref<10240x128xf32, #tpu.memory_space<vmem_shared>> -> memref<80x128xf32, #tpu.memory_space<vmem_shared>>
      tpu.wait_dma2 semaphore(%run_scoped3A : memref<!tpu.dma_semaphore, #tpu.memory_space<semaphore_mem>>) src(%dma_wait3A_100 : memref<80x128xf32, #tpu.memory_space<vmem_shared>>) dst(%dma_wait3A_98 : memref<80x128xf32, #tpu.memory_space<hbm>>)
      tpu.yield
    }) : () -> ()
    %add3A_79 = arith.constant 400 : i32
    %add3A_80 = arith.addi %mul3A_11, %add3A_79 : i32
    %add3A_81 = arith.constant 400 : i32
    %add3A_82 = arith.addi %mul3A_11, %add3A_81 : i32
    "tpu.region"() ({
      %run_scoped3A = tpu.sem_alloc : memref<!tpu.dma_semaphore, #tpu.memory_space<semaphore_mem>>
      %dma_start3A_91 = arith.constant 0 : i32
      %dma_start3A_92 = tpu.memref_slice %arg5[%arg0, %add3A_82, %dma_start3A_91] : memref<2x10240x128xf32, #tpu.memory_space<hbm>> -> memref<1x80x128xf32, #tpu.memory_space<hbm>>
      %dma_start3A_93 = tpu.memref_squeeze %dma_start3A_92 : memref<1x80x128xf32, #tpu.memory_space<hbm>> -> memref<80x128xf32, #tpu.memory_space<hbm>>
      %dma_start3A_94 = arith.constant 0 : i32
      %dma_start3A_95 = tpu.memref_slice %arg21[%add3A_80, %dma_start3A_94] : memref<10240x128xf32, #tpu.memory_space<vmem_shared>> -> memref<80x128xf32, #tpu.memory_space<vmem_shared>>
      tpu.enqueue_dma source(%dma_start3A_95 : memref<80x128xf32, #tpu.memory_space<vmem_shared>>) target(%dma_start3A_93 : memref<80x128xf32, #tpu.memory_space<hbm>>) target_semaphore(%run_scoped3A : memref<!tpu.dma_semaphore, #tpu.memory_space<semaphore_mem>>)
      %dma_wait3A_96 = arith.constant 0 : i32
      %dma_wait3A_97 = tpu.memref_slice %arg5[%arg0, %add3A_82, %dma_wait3A_96] : memref<2x10240x128xf32, #tpu.memory_space<hbm>> -> memref<1x80x128xf32, #tpu.memory_space<hbm>>
      %dma_wait3A_98 = tpu.memref_squeeze %dma_wait3A_97 : memref<1x80x128xf32, #tpu.memory_space<hbm>> -> memref<80x128xf32, #tpu.memory_space<hbm>>
      %dma_wait3A_99 = arith.constant 0 : i32
      %dma_wait3A_100 = tpu.memref_slice %arg21[%add3A_80, %dma_wait3A_99] : memref<10240x128xf32, #tpu.memory_space<vmem_shared>> -> memref<80x128xf32, #tpu.memory_space<vmem_shared>>
      tpu.wait_dma2 semaphore(%run_scoped3A : memref<!tpu.dma_semaphore, #tpu.memory_space<semaphore_mem>>) src(%dma_wait3A_100 : memref<80x128xf32, #tpu.memory_space<vmem_shared>>) dst(%dma_wait3A_98 : memref<80x128xf32, #tpu.memory_space<hbm>>)
      tpu.yield
    }) : () -> ()
    %add3A_83 = arith.constant 480 : i32
    %add3A_84 = arith.addi %mul3A_11, %add3A_83 : i32
    %add3A_85 = arith.constant 480 : i32
    %add3A_86 = arith.addi %mul3A_11, %add3A_85 : i32
    "tpu.region"() ({
      %run_scoped3A = tpu.sem_alloc : memref<!tpu.dma_semaphore, #tpu.memory_space<semaphore_mem>>
      %dma_start3A_91 = arith.constant 0 : i32
      %dma_start3A_92 = tpu.memref_slice %arg5[%arg0, %add3A_86, %dma_start3A_91] : memref<2x10240x128xf32, #tpu.memory_space<hbm>> -> memref<1x80x128xf32, #tpu.memory_space<hbm>>
      %dma_start3A_93 = tpu.memref_squeeze %dma_start3A_92 : memref<1x80x128xf32, #tpu.memory_space<hbm>> -> memref<80x128xf32, #tpu.memory_space<hbm>>
      %dma_start3A_94 = arith.constant 0 : i32
      %dma_start3A_95 = tpu.memref_slice %arg21[%add3A_84, %dma_start3A_94] : memref<10240x128xf32, #tpu.memory_space<vmem_shared>> -> memref<80x128xf32, #tpu.memory_space<vmem_shared>>
      tpu.enqueue_dma source(%dma_start3A_95 : memref<80x128xf32, #tpu.memory_space<vmem_shared>>) target(%dma_start3A_93 : memref<80x128xf32, #tpu.memory_space<hbm>>) target_semaphore(%run_scoped3A : memref<!tpu.dma_semaphore, #tpu.memory_space<semaphore_mem>>)
      %dma_wait3A_96 = arith.constant 0 : i32
      %dma_wait3A_97 = tpu.memref_slice %arg5[%arg0, %add3A_86, %dma_wait3A_96] : memref<2x10240x128xf32, #tpu.memory_space<hbm>> -> memref<1x80x128xf32, #tpu.memory_space<hbm>>
      %dma_wait3A_98 = tpu.memref_squeeze %dma_wait3A_97 : memref<1x80x128xf32, #tpu.memory_space<hbm>> -> memref<80x128xf32, #tpu.memory_space<hbm>>
      %dma_wait3A_99 = arith.constant 0 : i32
      %dma_wait3A_100 = tpu.memref_slice %arg21[%add3A_84, %dma_wait3A_99] : memref<10240x128xf32, #tpu.memory_space<vmem_shared>> -> memref<80x128xf32, #tpu.memory_space<vmem_shared>>
      tpu.wait_dma2 semaphore(%run_scoped3A : memref<!tpu.dma_semaphore, #tpu.memory_space<semaphore_mem>>) src(%dma_wait3A_100 : memref<80x128xf32, #tpu.memory_space<vmem_shared>>) dst(%dma_wait3A_98 : memref<80x128xf32, #tpu.memory_space<hbm>>)
      tpu.yield
    }) : () -> ()
    %add3A_87 = arith.constant 560 : i32
    %add3A_88 = arith.addi %mul3A_11, %add3A_87 : i32
    %add3A_89 = arith.constant 560 : i32
    %add3A_90 = arith.addi %mul3A_11, %add3A_89 : i32
    "tpu.region"() ({
      %run_scoped3A = tpu.sem_alloc : memref<!tpu.dma_semaphore, #tpu.memory_space<semaphore_mem>>
      %dma_start3A_91 = arith.constant 0 : i32
      %dma_start3A_92 = tpu.memref_slice %arg5[%arg0, %add3A_90, %dma_start3A_91] : memref<2x10240x128xf32, #tpu.memory_space<hbm>> -> memref<1x80x128xf32, #tpu.memory_space<hbm>>
      %dma_start3A_93 = tpu.memref_squeeze %dma_start3A_92 : memref<1x80x128xf32, #tpu.memory_space<hbm>> -> memref<80x128xf32, #tpu.memory_space<hbm>>
      %dma_start3A_94 = arith.constant 0 : i32
      %dma_start3A_95 = tpu.memref_slice %arg21[%add3A_88, %dma_start3A_94] : memref<10240x128xf32, #tpu.memory_space<vmem_shared>> -> memref<80x128xf32, #tpu.memory_space<vmem_shared>>
      tpu.enqueue_dma source(%dma_start3A_95 : memref<80x128xf32, #tpu.memory_space<vmem_shared>>) target(%dma_start3A_93 : memref<80x128xf32, #tpu.memory_space<hbm>>) target_semaphore(%run_scoped3A : memref<!tpu.dma_semaphore, #tpu.memory_space<semaphore_mem>>)
      %dma_wait3A_96 = arith.constant 0 : i32
      %dma_wait3A_97 = tpu.memref_slice %arg5[%arg0, %add3A_90, %dma_wait3A_96] : memref<2x10240x128xf32, #tpu.memory_space<hbm>> -> memref<1x80x128xf32, #tpu.memory_space<hbm>>
      %dma_wait3A_98 = tpu.memref_squeeze %dma_wait3A_97 : memref<1x80x128xf32, #tpu.memory_space<hbm>> -> memref<80x128xf32, #tpu.memory_space<hbm>>
      %dma_wait3A_99 = arith.constant 0 : i32
      %dma_wait3A_100 = tpu.memref_slice %arg21[%add3A_88, %dma_wait3A_99] : memref<10240x128xf32, #tpu.memory_space<vmem_shared>> -> memref<80x128xf32, #tpu.memory_space<vmem_shared>>
      tpu.wait_dma2 semaphore(%run_scoped3A : memref<!tpu.dma_semaphore, #tpu.memory_space<semaphore_mem>>) src(%dma_wait3A_100 : memref<80x128xf32, #tpu.memory_space<vmem_shared>>) dst(%dma_wait3A_98 : memref<80x128xf32, #tpu.memory_space<hbm>>)
      tpu.yield
    }) : () -> ()
    return
  }
}

module attributes {stable_mosaic.version = 14 : i64} {
  func.func @_pre_body(%arg0: i32, %arg1: memref<1000x128xf32, #tpu.memory_space<vmem>>, %arg2: memref<128xf32, #tpu.memory_space<vmem>>, %arg3: memref<128xf32, #tpu.memory_space<vmem>>, %arg4: memref<128x128xf32, #tpu.memory_space<vmem>>, %arg5: memref<1000x1xf32, #tpu.memory_space<vmem>>, %arg6: memref<1000x128xf32, #tpu.memory_space<vmem>>) attributes {dimension_semantics = [#tpu.dimension_semantics<arbitrary>], iteration_bounds = array<i64: 10>, scalar_prefetch = 0 : i64, scratch_operands = 0 : i64, tpu.core_type = #tpu.core_type<tc>, window_params = [{transform_indices = @transform_0, window_bounds = array<i64: 1000, 128>}, {pipeline_mode = #tpu.pipeline_mode<synchronous>, transform_indices = @transform_1, window_bounds = array<i64: 128>}, {pipeline_mode = #tpu.pipeline_mode<synchronous>, transform_indices = @transform_2, window_bounds = array<i64: 128>}, {pipeline_mode = #tpu.pipeline_mode<synchronous>, transform_indices = @transform_3, window_bounds = array<i64: 128, 128>}, {transform_indices = @transform_4, window_bounds = array<i64: 1000, 1>}, {transform_indices = @transform_5, window_bounds = array<i64: 1000, 128>}]} {
    %get3A = arith.constant 0 : index
    %get3A_0 = arith.constant 0 : index
    %get3A_1 = vector.load %arg1[%get3A, %get3A_0] : memref<1000x128xf32, #tpu.memory_space<vmem>>, vector<1000x128xf32>
    %reduce_sum3A = arith.constant dense<0.000000e+00> : vector<1000xf32>
    %reduce_sum3A_2 = vector.multi_reduction <add>, %get3A_1, %reduce_sum3A [1] : vector<1000x128xf32> to vector<1000xf32>
    %broadcast_in_dim3A = vector.shape_cast %reduce_sum3A_2 : vector<1000xf32> to vector<1000x1xf32>
    %div3A = arith.constant 1.280000e+02 : f32
    %div3A_3 = vector.broadcast %div3A : f32 to vector<1000x1xf32>
    %div3A_4 = arith.divf %broadcast_in_dim3A, %div3A_3 : vector<1000x1xf32>
    %sub3A = vector.broadcast %div3A_4 : vector<1000x1xf32> to vector<1000x128xf32>
    %sub3A_5 = arith.subf %get3A_1, %sub3A : vector<1000x128xf32>
    %mul3A = arith.mulf %sub3A_5, %sub3A_5 : vector<1000x128xf32>
    %reduce_sum3A_6 = arith.constant dense<0.000000e+00> : vector<1000xf32>
    %reduce_sum3A_7 = vector.multi_reduction <add>, %mul3A, %reduce_sum3A_6 [1] : vector<1000x128xf32> to vector<1000xf32>
    %broadcast_in_dim3A_8 = vector.shape_cast %reduce_sum3A_7 : vector<1000xf32> to vector<1000x1xf32>
    %div3A_9 = arith.constant 1.280000e+02 : f32
    %div3A_10 = vector.broadcast %div3A_9 : f32 to vector<1000x1xf32>
    %div3A_11 = arith.divf %broadcast_in_dim3A_8, %div3A_10 : vector<1000x1xf32>
    %add3A = arith.constant 9.99999974E-6 : f32
    %add3A_12 = vector.broadcast %add3A : f32 to vector<1000x1xf32>
    %add3A_13 = arith.addf %div3A_11, %add3A_12 : vector<1000x1xf32>
    %rsqrt3A = math.rsqrt %add3A_13 : vector<1000x1xf32>
    %mul3A_14 = vector.broadcast %rsqrt3A : vector<1000x1xf32> to vector<1000x128xf32>
    %mul3A_15 = arith.mulf %sub3A_5, %mul3A_14 : vector<1000x128xf32>
    %get3A_16 = arith.constant 0 : index
    %get3A_17 = vector.load %arg2[%get3A_16] : memref<128xf32, #tpu.memory_space<vmem>>, vector<128xf32>
    %broadcast_in_dim3A_18 = vector.shape_cast %get3A_17 : vector<128xf32> to vector<1x128xf32>
    %mul3A_19 = vector.broadcast %broadcast_in_dim3A_18 : vector<1x128xf32> to vector<1000x128xf32>
    %mul3A_20 = arith.mulf %mul3A_15, %mul3A_19 : vector<1000x128xf32>
    %get3A_21 = arith.constant 0 : index
    %get3A_22 = vector.load %arg3[%get3A_21] : memref<128xf32, #tpu.memory_space<vmem>>, vector<128xf32>
    %broadcast_in_dim3A_23 = vector.shape_cast %get3A_22 : vector<128xf32> to vector<1x128xf32>
    %add3A_24 = vector.broadcast %broadcast_in_dim3A_23 : vector<1x128xf32> to vector<1000x128xf32>
    %add3A_25 = arith.addf %mul3A_20, %add3A_24 : vector<1000x128xf32>
    %get3A_26 = arith.constant 0 : index
    %get3A_27 = arith.constant 0 : index
    %get3A_28 = vector.load %arg4[%get3A_26, %get3A_27] : memref<128x128xf32, #tpu.memory_space<vmem>>, vector<128x128xf32>
    %dot_general3A = arith.constant dense<0.000000e+00> : vector<1000x128xf32>
    %dot_general3A_29 = tpu.matmul %add3A_25, %get3A_28, %dot_general3A {dimension_numbers = #tpu.dot_dimension_numbers<[1], [0], [0], [1], [0, 0, 1, 1], [], []>, transpose_lhs_hint = false} : vector<1000x128xf32>, vector<128x128xf32>, vector<1000x128xf32> -> vector<1000x128xf32>
    %get3A_30 = arith.constant 0 : index
    %get3A_31 = arith.constant 0 : index
    %get3A_32 = vector.load %arg5[%get3A_30, %get3A_31] : memref<1000x1xf32, #tpu.memory_space<vmem>>, vector<1000x1xf32>
    %mul3A_33 = vector.broadcast %get3A_32 : vector<1000x1xf32> to vector<1000x128xf32>
    %mul3A_34 = arith.mulf %dot_general3A_29, %mul3A_33 : vector<1000x128xf32>
    %swap3A = arith.constant 0 : index
    %swap3A_35 = arith.constant 0 : index
    %swap3A_36 = vector.load %arg6[%swap3A, %swap3A_35] : memref<1000x128xf32, #tpu.memory_space<vmem>>, vector<1000x128xf32>
    tpu.vector_store %arg6[%swap3A, %swap3A_35], %mul3A_34 {strides = array<i32>} : memref<1000x128xf32, #tpu.memory_space<vmem>>, vector<1000x128xf32>,
    return
  }
  func.func @transform_0(%arg0: i32) -> (i32, i32) {
    %c0_i32 = arith.constant 0 : i32
    %c0_i32_0 = arith.constant 0 : i32
    return %arg0, %c0_i32 : i32, i32
  }
  func.func @transform_1(%arg0: i32) -> i32 {
    %c0_i32 = arith.constant 0 : i32
    %c0_i32_0 = arith.constant 0 : i32
    return %c0_i32 : i32
  }
  func.func @transform_2(%arg0: i32) -> i32 {
    %c0_i32 = arith.constant 0 : i32
    %c0_i32_0 = arith.constant 0 : i32
    return %c0_i32 : i32
  }
  func.func @transform_3(%arg0: i32) -> (i32, i32) {
    %c0_i32 = arith.constant 0 : i32
    %c0_i32_0 = arith.constant 0 : i32
    %c0_i32_1 = arith.constant 0 : i32
    return %c0_i32, %c0_i32_0 : i32, i32
  }
  func.func @transform_4(%arg0: i32) -> (i32, i32) {
    %c0_i32 = arith.constant 0 : i32
    %c0_i32_0 = arith.constant 0 : i32
    return %arg0, %c0_i32 : i32, i32
  }
  func.func @transform_5(%arg0: i32) -> (i32, i32) {
    %c0_i32 = arith.constant 0 : i32
    %c0_i32_0 = arith.constant 0 : i32
    return %arg0, %c0_i32 : i32, i32
  }
}

module attributes {stable_mosaic.version = 14 : i64} {
  func.func @_post_body(%arg0: i32, %arg1: memref<1000x128xf32, #tpu.memory_space<vmem>>, %arg2: memref<1000x128xf32, #tpu.memory_space<vmem>>, %arg3: memref<1x1000x128xf32, #tpu.memory_space<vmem>>, %arg4: memref<1x1000x128xf32, #tpu.memory_space<vmem>>, %arg5: memref<1000x1xf32, #tpu.memory_space<vmem>>, %arg6: memref<128xf32, #tpu.memory_space<vmem>>, %arg7: memref<1x1xf32, #tpu.memory_space<smem>>, %arg8: memref<128xf32, #tpu.memory_space<vmem>>, %arg9: memref<128xf32, #tpu.memory_space<vmem>>, %arg10: memref<128x128xf32, #tpu.memory_space<vmem>>, %arg11: memref<128xf32, #tpu.memory_space<vmem>>, %arg12: memref<1x1xf32, #tpu.memory_space<smem>>, %arg13: memref<1000x128xf32, #tpu.memory_space<vmem>>) attributes {dimension_semantics = [#tpu.dimension_semantics<arbitrary>], iteration_bounds = array<i64: 10>, scalar_prefetch = 0 : i64, scratch_operands = 0 : i64, tpu.core_type = #tpu.core_type<tc>, window_params = [{transform_indices = @transform_0, window_bounds = array<i64: 1000, 128>}, {transform_indices = @transform_1, window_bounds = array<i64: 1000, 128>}, {transform_indices = @transform_2, window_bounds = array<i64: 1, 1000, 128>}, {transform_indices = @transform_3, window_bounds = array<i64: 1, 1000, 128>}, {transform_indices = @transform_4, window_bounds = array<i64: 1000, 1>}, {pipeline_mode = #tpu.pipeline_mode<synchronous>, transform_indices = @transform_5, window_bounds = array<i64: 128>}, {transform_indices = @transform_6, window_bounds = array<i64: 1, 1>}, {pipeline_mode = #tpu.pipeline_mode<synchronous>, transform_indices = @transform_7, window_bounds = array<i64: 128>}, {pipeline_mode = #tpu.pipeline_mode<synchronous>, transform_indices = @transform_8, window_bounds = array<i64: 128>}, {pipeline_mode = #tpu.pipeline_mode<synchronous>, transform_indices = @transform_9, window_bounds = array<i64: 128, 128>}, {pipeline_mode = #tpu.pipeline_mode<synchronous>, transform_indices = @transform_10, window_bounds = array<i64: 128>}, {transform_indices = @transform_11, window_bounds = array<i64: 1, 1>}, {transform_indices = @transform_12, window_bounds = array<i64: 1000, 128>}]} {
    %get3A = arith.constant 0 : index
    %get3A_0 = arith.constant 0 : index
    %get3A_1 = arith.constant 0 : index
    %get3A_2 = vector.load %arg3[%get3A, %get3A_0, %get3A_1] : memref<1x1000x128xf32, #tpu.memory_space<vmem>>, vector<1x1000x128xf32>
    %get3A_3 = vector.shape_cast %get3A_2 : vector<1x1000x128xf32> to vector<1000x128xf32>
    %get3A_4 = arith.constant 0 : index
    %get3A_5 = arith.constant 0 : index
    %get3A_6 = arith.constant 0 : index
    %get3A_7 = vector.load %arg4[%get3A_4, %get3A_5, %get3A_6] : memref<1x1000x128xf32, #tpu.memory_space<vmem>>, vector<1x1000x128xf32>
    %get3A_8 = vector.shape_cast %get3A_7 : vector<1x1000x128xf32> to vector<1000x128xf32>
    %add3A = arith.addf %get3A_3, %get3A_8 : vector<1000x128xf32>
    %get3A_9 = arith.constant 0 : index
    %get3A_10 = arith.constant 0 : index
    %get3A_11 = vector.load %arg2[%get3A_9, %get3A_10] : memref<1000x128xf32, #tpu.memory_space<vmem>>, vector<1000x128xf32>
    %add3A_12 = arith.addf %add3A, %get3A_11 : vector<1000x128xf32>
    %get3A_13 = arith.constant 0 : index
    %get3A_14 = arith.constant 0 : index
    %get3A_15 = vector.load %arg5[%get3A_13, %get3A_14] : memref<1000x1xf32, #tpu.memory_space<vmem>>, vector<1000x1xf32>
    %mul3A = vector.broadcast %get3A_15 : vector<1000x1xf32> to vector<1000x128xf32>
    %mul3A_16 = arith.mulf %add3A_12, %mul3A : vector<1000x128xf32>
    %get3A_17 = arith.constant 0 : index
    %get3A_18 = vector.load %arg6[%get3A_17] : memref<128xf32, #tpu.memory_space<vmem>>, vector<128xf32>
    %broadcast_in_dim3A = vector.shape_cast %get3A_18 : vector<128xf32> to vector<1x128xf32>
    %add3A_19 = vector.broadcast %broadcast_in_dim3A : vector<1x128xf32> to vector<1000x128xf32>
    %add3A_20 = arith.addf %mul3A_16, %add3A_19 : vector<1000x128xf32>
    %logistic3A = arith.negf %add3A_20 : vector<1000x128xf32>
    %logistic3A_21 = math.exp %logistic3A : vector<1000x128xf32>
    %logistic3A_22 = arith.constant 1.000000e+00 : f32
    %logistic3A_23 = vector.broadcast %logistic3A_22 : f32 to vector<1000x128xf32>
    %logistic3A_24 = arith.addf %logistic3A_23, %logistic3A_21 : vector<1000x128xf32>
    %logistic3A_25 = arith.divf %logistic3A_23, %logistic3A_24 : vector<1000x128xf32>
    %mul3A_26 = arith.mulf %add3A_20, %logistic3A_25 : vector<1000x128xf32>
    %get3A_27 = arith.constant 0 : index
    %get3A_28 = arith.constant 0 : index
    %get3A_29 = vector.load %arg1[%get3A_27, %get3A_28] : memref<1000x128xf32, #tpu.memory_space<vmem>>, vector<1000x128xf32>
    %get3A_30 = arith.constant 0 : index
    %get3A_31 = arith.constant 0 : index
    %get3A_32 = memref.load %arg7[%get3A_30, %get3A_31] : memref<1x1xf32, #tpu.memory_space<smem>>
    %mul3A_33 = vector.broadcast %get3A_32 : f32 to vector<1000x128xf32>
    %mul3A_34 = arith.mulf %mul3A_33, %mul3A_26 : vector<1000x128xf32>
    %add3A_35 = arith.addf %get3A_29, %mul3A_34 : vector<1000x128xf32>
    %reduce_sum3A = arith.constant dense<0.000000e+00> : vector<1000xf32>
    %reduce_sum3A_36 = vector.multi_reduction <add>, %add3A_35, %reduce_sum3A [1] : vector<1000x128xf32> to vector<1000xf32>
    %broadcast_in_dim3A_37 = vector.shape_cast %reduce_sum3A_36 : vector<1000xf32> to vector<1000x1xf32>
    %div3A = arith.constant 1.280000e+02 : f32
    %div3A_38 = vector.broadcast %div3A : f32 to vector<1000x1xf32>
    %div3A_39 = arith.divf %broadcast_in_dim3A_37, %div3A_38 : vector<1000x1xf32>
    %sub3A = vector.broadcast %div3A_39 : vector<1000x1xf32> to vector<1000x128xf32>
    %sub3A_40 = arith.subf %add3A_35, %sub3A : vector<1000x128xf32>
    %mul3A_41 = arith.mulf %sub3A_40, %sub3A_40 : vector<1000x128xf32>
    %reduce_sum3A_42 = arith.constant dense<0.000000e+00> : vector<1000xf32>
    %reduce_sum3A_43 = vector.multi_reduction <add>, %mul3A_41, %reduce_sum3A_42 [1] : vector<1000x128xf32> to vector<1000xf32>
    %broadcast_in_dim3A_44 = vector.shape_cast %reduce_sum3A_43 : vector<1000xf32> to vector<1000x1xf32>
    %div3A_45 = arith.constant 1.280000e+02 : f32
    %div3A_46 = vector.broadcast %div3A_45 : f32 to vector<1000x1xf32>
    %div3A_47 = arith.divf %broadcast_in_dim3A_44, %div3A_46 : vector<1000x1xf32>
    %add3A_48 = arith.constant 9.99999974E-6 : f32
    %add3A_49 = vector.broadcast %add3A_48 : f32 to vector<1000x1xf32>
    %add3A_50 = arith.addf %div3A_47, %add3A_49 : vector<1000x1xf32>
    %rsqrt3A = math.rsqrt %add3A_50 : vector<1000x1xf32>
    %mul3A_51 = vector.broadcast %rsqrt3A : vector<1000x1xf32> to vector<1000x128xf32>
    %mul3A_52 = arith.mulf %sub3A_40, %mul3A_51 : vector<1000x128xf32>
    %get3A_53 = arith.constant 0 : index
    %get3A_54 = vector.load %arg8[%get3A_53] : memref<128xf32, #tpu.memory_space<vmem>>, vector<128xf32>
    %broadcast_in_dim3A_55 = vector.shape_cast %get3A_54 : vector<128xf32> to vector<1x128xf32>
    %mul3A_56 = vector.broadcast %broadcast_in_dim3A_55 : vector<1x128xf32> to vector<1000x128xf32>
    %mul3A_57 = arith.mulf %mul3A_52, %mul3A_56 : vector<1000x128xf32>
    %get3A_58 = arith.constant 0 : index
    %get3A_59 = vector.load %arg9[%get3A_58] : memref<128xf32, #tpu.memory_space<vmem>>, vector<128xf32>
    %broadcast_in_dim3A_60 = vector.shape_cast %get3A_59 : vector<128xf32> to vector<1x128xf32>
    %add3A_61 = vector.broadcast %broadcast_in_dim3A_60 : vector<1x128xf32> to vector<1000x128xf32>
    %add3A_62 = arith.addf %mul3A_57, %add3A_61 : vector<1000x128xf32>
    %get3A_63 = arith.constant 0 : index
    %get3A_64 = arith.constant 0 : index
    %get3A_65 = vector.load %arg10[%get3A_63, %get3A_64] : memref<128x128xf32, #tpu.memory_space<vmem>>, vector<128x128xf32>
    %dot_general3A = arith.constant dense<0.000000e+00> : vector<1000x128xf32>
    %dot_general3A_66 = tpu.matmul %add3A_62, %get3A_65, %dot_general3A {dimension_numbers = #tpu.dot_dimension_numbers<[1], [0], [0], [1], [0, 0, 1, 1], [], []>, transpose_lhs_hint = false} : vector<1000x128xf32>, vector<128x128xf32>, vector<1000x128xf32> -> vector<1000x128xf32>
    %get3A_67 = arith.constant 0 : index
    %get3A_68 = vector.load %arg11[%get3A_67] : memref<128xf32, #tpu.memory_space<vmem>>, vector<128xf32>
    %broadcast_in_dim3A_69 = vector.shape_cast %get3A_68 : vector<128xf32> to vector<1x128xf32>
    %add3A_70 = vector.broadcast %broadcast_in_dim3A_69 : vector<1x128xf32> to vector<1000x128xf32>
    %add3A_71 = arith.addf %dot_general3A_66, %add3A_70 : vector<1000x128xf32>
    %logistic3A_72 = arith.negf %add3A_71 : vector<1000x128xf32>
    %logistic3A_73 = math.exp %logistic3A_72 : vector<1000x128xf32>
    %logistic3A_74 = arith.constant 1.000000e+00 : f32
    %logistic3A_75 = vector.broadcast %logistic3A_74 : f32 to vector<1000x128xf32>
    %logistic3A_76 = arith.addf %logistic3A_75, %logistic3A_73 : vector<1000x128xf32>
    %logistic3A_77 = arith.divf %logistic3A_75, %logistic3A_76 : vector<1000x128xf32>
    %mul3A_78 = arith.mulf %add3A_71, %logistic3A_77 : vector<1000x128xf32>
    %get3A_79 = arith.constant 0 : index
    %get3A_80 = arith.constant 0 : index
    %get3A_81 = memref.load %arg12[%get3A_79, %get3A_80] : memref<1x1xf32, #tpu.memory_space<smem>>
    %mul3A_82 = vector.broadcast %get3A_81 : f32 to vector<1000x128xf32>
    %mul3A_83 = arith.mulf %mul3A_82, %mul3A_78 : vector<1000x128xf32>
    %add3A_84 = arith.addf %add3A_35, %mul3A_83 : vector<1000x128xf32>
    %swap3A = arith.constant 0 : index
    %swap3A_85 = arith.constant 0 : index
    %swap3A_86 = vector.load %arg13[%swap3A, %swap3A_85] : memref<1000x128xf32, #tpu.memory_space<vmem>>, vector<1000x128xf32>
    tpu.vector_store %arg13[%swap3A, %swap3A_85], %add3A_84 {strides = array<i32>} : memref<1000x128xf32, #tpu.memory_space<vmem>>, vector<1000x128xf32>,
    return
  }
  func.func @transform_0(%arg0: i32) -> (i32, i32) {
    %c0_i32 = arith.constant 0 : i32
    %c0_i32_0 = arith.constant 0 : i32
    return %arg0, %c0_i32 : i32, i32
  }
  func.func @transform_1(%arg0: i32) -> (i32, i32) {
    %c0_i32 = arith.constant 0 : i32
    %c0_i32_0 = arith.constant 0 : i32
    return %arg0, %c0_i32 : i32, i32
  }
  func.func @transform_2(%arg0: i32) -> (i32, i32, i32) {
    %c0_i32 = arith.constant 0 : i32
    %c0_i32_0 = arith.constant 0 : i32
    %c0_i32_1 = arith.constant 0 : i32
    return %c0_i32, %arg0, %c0_i32_0 : i32, i32, i32
  }
  func.func @transform_3(%arg0: i32) -> (i32, i32, i32) {
    %c1_i32 = arith.constant 1 : i32
    %c0_i32 = arith.constant 0 : i32
    %c0_i32_0 = arith.constant 0 : i32
    return %c1_i32, %arg0, %c0_i32 : i32, i32, i32
  }
  func.func @transform_4(%arg0: i32) -> (i32, i32) {
    %c0_i32 = arith.constant 0 : i32
    %c0_i32_0 = arith.constant 0 : i32
    return %arg0, %c0_i32 : i32, i32
  }
  func.func @transform_5(%arg0: i32) -> i32 {
    %c0_i32 = arith.constant 0 : i32
    %c0_i32_0 = arith.constant 0 : i32
    return %c0_i32 : i32
  }
  func.func @transform_6(%arg0: i32) -> (i32, i32) {
    %c0_i32 = arith.constant 0 : i32
    %c0_i32_0 = arith.constant 0 : i32
    %c0_i32_1 = arith.constant 0 : i32
    return %c0_i32, %c0_i32_0 : i32, i32
  }
  func.func @transform_7(%arg0: i32) -> i32 {
    %c0_i32 = arith.constant 0 : i32
    %c0_i32_0 = arith.constant 0 : i32
    return %c0_i32 : i32
  }
  func.func @transform_8(%arg0: i32) -> i32 {
    %c0_i32 = arith.constant 0 : i32
    %c0_i32_0 = arith.constant 0 : i32
    return %c0_i32 : i32
  }
  func.func @transform_9(%arg0: i32) -> (i32, i32) {
    %c0_i32 = arith.constant 0 : i32
    %c0_i32_0 = arith.constant 0 : i32
    %c0_i32_1 = arith.constant 0 : i32
    return %c0_i32, %c0_i32_0 : i32, i32
  }
  func.func @transform_10(%arg0: i32) -> i32 {
    %c0_i32 = arith.constant 0 : i32
    %c0_i32_0 = arith.constant 0 : i32
    return %c0_i32 : i32
  }
  func.func @transform_11(%arg0: i32) -> (i32, i32) {
    %c0_i32 = arith.constant 0 : i32
    %c0_i32_0 = arith.constant 0 : i32
    %c0_i32_1 = arith.constant 0 : i32
    return %c0_i32, %c0_i32_0 : i32, i32
  }
  func.func @transform_12(%arg0: i32) -> (i32, i32) {
    %c0_i32 = arith.constant 0 : i32
    %c0_i32_0 = arith.constant 0 : i32
    return %arg0, %c0_i32 : i32, i32
  }
}

</mosaic_0001>

<sc_bundles>
// kernel: kernel.6.cloned.1.call-start
scs
__scs_entry_jumppad:
0x0: {  	(pc) =	sbr.rel $0x88, $3  }
0x1: {  	(tag) =	ssettag $0x0;
	lr =	simm.s32 $0x1  }
0x2: {  	[smem:$0x3F95] =	sst lr;
	_ =	strace $0xD0000000  }
0x3: {  	_ = 	snop  }
0x4: {  	_ = 	snop  }
0x5: {  	_ = 	snop  }
0x6: {  	_ = 	snop  }
0x7: {  	_ = 	snop  }
__scs_overlays_trampoline_lowered:
0x8: {  	[smem:$0x3FA4] =	sst s0  }
0x9: {  	[smem:$0x3FA5] =	sst s1  }
0xa: {  	[smem:$0x3FA6] =	sst s2  }
0xb: {  	[smem:$0x3FA7] =	sst s3  }
0xc: {  	[smem:$0x3FA8] =	sst s4  }
0xd: {  	[smem:$0x3FA9] =	sst s5  }
0xe: {  	[smem:$0x3FAA] =	sst s6  }
0xf: {  	[smem:$0x3FAB] =	sst s7  }
0x10: {  	[smem:$0x3FAC] =	sst s8  }
0x11: {  	[smem:$0x3FAD] =	sst s9;
	s0 =	simm.s32 @!p0 $0x0  }
0x12: {  	s1 =	sld [smem:$0x3F93];
	s0 =	simm.s32 @p0 $0x1  }
0x13: {  	[smem:$0x3FAE] =	sst s0;
	s0 =	simm.s32 @!p1 $0x0  }
0x14: {  	s2 =	sld [smem:$0x3F92];
	s0 =	simm.s32 @p1 $0x1  }
0x15: {  	[smem:$0x3FAF] =	sst s0;
	s0 =	simm.s32 @!p2 $0x0  }
0x16: {  	s3 =	sld [smem:$0x3FDB];
	s0 =	simm.s32 @p2 $0x1  }
0x17: {  	s4 =	simm.s32 $0x1BF5;
	[smem:$0x3FB1] =	sst s0  }
0x18: {  	s0 =	sld [smem:$0x3F94];
	_ =	swait.ge [sflag:s4], $0x0  }
0x19: {  	s7 =	sld [smem:$0x3F95]  }
0x1a: {  	s8 =	sadd.s32 $0xFFFFE003, lr  }
0x1b: {  	s9 =	sadd.s32 $0xFFFFFEF7, lr;
	s5 =	simm.s32 $0xFFFFFFFF;
	p2 =	slt.u32 s8, $0xFFFFF086  }
0x1c: {  	p1 =	slt.u32 s9, $0xF7A;
	s5 =	simm.s32 @!p2 $0x0  }
0x1d: {  	s5 =	simm.s32 @p1 $0x1;
	p0 =	seq.s32 s7, s2  }
0x1e: {  	s7 =	smul.u32 @!p0 $0xF7A, s2;
	p2 =	seq.s32 @!p0 s5, $0x0  }
0x1f: {  	s9 =	smul.u32 $0xF7A, s1;
	s8 =	simm.s32 @!p0 $0x1BF5;
	p2 =	por !p2, p0  }
0x20: {  	[sflag:s8] =	ssyncset.s32 @!p0 $0xFFFFF086;
	s6 =	sadd.s32 @!p0 s3, s7;
	s7 =	simm.s32 @!p0 $0x108  }
0x21: {  	s3 =	sadd.s32 s3, s9;
	s6 =	sadd.s32 @!p0 $0x88, s6;
	s7 =	simm.s32 @p2 $0x1082  }
0x22: {  	[simem:s7], [sflag:s8] =	dma.local @!p0 [hbm:s6], $0xF7A  }
0x23: {  	s9 =	sor.u32 $0xD0000000, s2;
	s6 =	simm.s32 $0x108;
	_ =	swait.ge @!p0 [sflag:s8], $0x0  }
0x24: {  	s3 =	sadd.s32 $0x88, s3;
	s6 =	simm.s32 @!p1 $0x1082;
	[sflag:s4] =	ssyncset.s32 $0xFFFFF086  }
0x25: {  	[simem:s6], [sflag:s4] =	dma.local [hbm:s3], $0xF7A  }
0x26: {  	[smem:$0x3F95] =	sst s1;
	(tag) =	ssettag s2;
	_ =	strace s9  }
0x27: {  	s1 =	sld [smem:$0x3FA5]  }
0x28: {  	s2 =	sld [smem:$0x3FA6]  }
0x29: {  	s4 =	sld [smem:$0x3FA8]  }
0x2a: {  	p0 =	seq.s32 s5, $0x0;
	s5 =	sld [smem:$0x3FA9]  }
0x2b: {  	s6 =	sld [smem:$0x3FAA]  }
0x2c: {  	s7 =	sld [smem:$0x3FAB]  }
0x2d: {  	s3 =	simm.s32 $0x108;
	s8 =	sld [smem:$0x3FAC]  }
0x2e: {  	s3 =	simm.s32 @!p0 $0x1082;
	s9 =	sld [smem:$0x3FAD]  }
0x2f: {  	lr =	sadd.s32 s0, s3;
	s0 =	sld [smem:$0x3FA4]  }
0x30: {  	s3 =	sld [smem:$0x3FA7]  }
0x31: {  	[smem:$0x3FB0] =	sst s10  }
0x32: {  	s10 =	sld [smem:$0x3FAE];
	_ =	sdelay $0x3  }
0x33: {  	p0 =	seq.s32 s10, $0x1;
	s10 =	sld [smem:$0x3FB0];
	_ =	sdelay $0x3  }
0x34: {  	[smem:$0x3FB0] =	sst s10  }
0x35: {  	s10 =	sld [smem:$0x3FAF];
	_ =	sdelay $0x3  }
0x36: {  	p1 =	seq.s32 s10, $0x1;
	s10 =	sld [smem:$0x3FB0];
	_ =	sdelay $0x3  }
0x37: {  	[smem:$0x3FB0] =	sst s10  }
0x38: {  	s10 =	sld [smem:$0x3FB1]  }
0x39: {  	_ = 	snop;
	(pc) =	sbr.ind lr, $3  }
0x3a: {  	_ = 	snop  }
0x3b: {  	_ = 	snop  }
0x3c: {  	p2 =	seq.s32 s10, $0x1;
	s10 =	sld [smem:$0x3FB0]  }
0x3d: {  	_ =	shalt  }
0x3e: {  	_ =	shalt  }
0x3f: {  	_ =	shalt  }
0x40: {  	_ =	shalt  }
0x41: {  	_ =	shalt  }
0x42: {  	_ =	shalt  }
0x43: {  	_ =	shalt  }
0x44: {  	_ =	shalt  }
0x45: {  	_ =	shalt  }
0x46: {  	_ =	shalt  }
0x47: {  	_ =	shalt  }
0x48: {  	_ =	shalt  }
0x49: {  	_ =	shalt  }
0x4a: {  	_ =	shalt  }
0x4b: {  	_ =	shalt  }
0x4c: {  	_ =	shalt  }
0x4d: {  	_ =	shalt  }
0x4e: {  	_ =	shalt  }
0x4f: {  	_ =	shalt  }
0x50: {  	_ =	shalt  }
0x51: {  	_ =	shalt  }
0x52: {  	_ =	shalt  }
0x53: {  	_ =	shalt  }
0x54: {  	_ =	shalt  }
0x55: {  	_ =	shalt  }
0x56: {  	_ =	shalt  }
0x57: {  	_ =	shalt  }
0x58: {  	_ =	shalt  }
0x59: {  	_ =	shalt  }
0x5a: {  	_ =	shalt  }
0x5b: {  	_ =	shalt  }
0x5c: {  	_ =	shalt  }
0x5d: {  	_ =	shalt  }
0x5e: {  	_ =	shalt  }
0x5f: {  	_ =	shalt  }
0x60: {  	_ =	shalt  }
0x61: {  	_ =	shalt  }
0x62: {  	_ =	shalt  }
0x63: {  	_ =	shalt  }
0x64: {  	_ =	shalt  }
0x65: {  	_ =	shalt  }
0x66: {  	_ =	shalt  }
0x67: {  	_ =	shalt  }
0x68: {  	_ =	shalt  }
0x69: {  	_ =	shalt  }
0x6a: {  	_ =	shalt  }
0x6b: {  	_ =	shalt  }
0x6c: {  	_ =	shalt  }
0x6d: {  	_ =	shalt  }
0x6e: {  	_ =	shalt  }
0x6f: {  	_ =	shalt  }
0x70: {  	_ =	shalt  }
0x71: {  	_ =	shalt  }
0x72: {  	_ =	shalt  }
0x73: {  	_ =	shalt  }
0x74: {  	_ =	shalt  }
0x75: {  	_ =	shalt  }
0x76: {  	_ =	shalt  }
0x77: {  	_ =	shalt  }
0x78: {  	_ =	shalt  }
0x79: {  	_ =	shalt  }
0x7a: {  	_ =	shalt  }
0x7b: {  	_ =	shalt  }
0x7c: {  	_ =	shalt  }
0x7d: {  	_ =	shalt  }
0x7e: {  	_ =	shalt  }
0x7f: {  	_ =	shalt  }
0x80: {  	_ =	shalt  }
0x81: {  	_ =	shalt  }
0x82: {  	_ =	shalt  }
0x83: {  	_ =	shalt  }
0x84: {  	_ =	shalt  }
0x85: {  	_ =	shalt  }
0x86: {  	_ =	shalt  }
0x87: {  	_ =	shalt  }
.Lfunc_end0:
.L_simem_size_0:
called_computation_lowered:
.L_overlay_start_0:
0x88: {  	s2 =	sld [smem:$0x3FD9]  }
0x89: {  	s3 =	sld [smem:$0x3FFE];
	_ =	sdelay $0x1  }
0x8a: {  	s1 =	srdreg.scid  }
0x8b: {  	s0 =	sand.u32 $0x1, s1  }
0x8c: {  	s17 =	sshll.u32 s0, $0xA;
	s2 =	sadd.s32 s3, s2  }
0x8d: {  	s2 =	sadd.s32 s2, s17  }
0x8e: {  	[smem:$0x3FBC] =	sst s2  }
0x8f: {  	_ = 	snop  }
0x90: {  	s2 =	sld [smem:$0x3FD0];
	(tm) =	ssettm $0x1  }
0x91: {  	s18 =	sld [smem:$0x3FFB];
	_ =	sdelay $0x3  }
0x92: {  	_ =	strace s18  }
0x93: {  	s3 =	sld [smem:$0x3FFC];
	_ =	sdelay $0x3  }
0x94: {  	_ =	strace s3  }
0x95: {  	s3 =	sld [smem:$0x3FFD];
	_ =	sdelay $0x3  }
0x96: {  	_ =	strace s3  }
0x97: {  	_ =	strace $0x8FFFFFFF  }
0x98: {  	s19 =	sld [smem:$0x3FDB];
	_ =	sdelay $0x1  }
0x99: {  	s4 =	simm.s32 $_scs_section_size  }
0x9a: {  	s5 =	simm.s32 $_size__tile_overlayer_lowered;
	s6 =	simm.s32 $_tile_overlayer_lowered  }
0x9b: {  	s22 =	simm.s32 $0x1BFF;
	s21 =	sshll.u32 s6, $0x1;
	s3 =	sadd.s32 s4, s19  }
0x9c: {  	s7 =	simm.s32 $0x0;
	s20 =	sshll.u32 s5, $0x1;
	s5 =	sadd.s32 s21, s3  }
0x9d: {  	[timem:s7], [sflag:s22] =	dma.local [hbm:s5], s20  }
0x9e: {  	_ =	swait.ge [sflag:s22], s20  }
0x9f: {  	s4 =	ssub.s32 $0x0, s20;
	[sflag:s22] =	ssyncset.done $0x0  }
0xa0: {  	[sflag:s22] =	ssyncadd.s32 s4;
	_ =	sdelay $0x1  }
0xa1: {  	s23 =	simm.s32 $0x1B8B  }
0xa2: {  	_ =	swait.ge [sflag:s23], $0x1  }
0xa3: {  	[sflag:s23] =	ssyncset.done $0x0  }
0xa4: {  	s25 =	simm.s32 $0x1B8E;
	s24 =	sld [smem:$0x3FFE];
	[sflag:s23] =	ssyncadd.s32 $0xFFFFFFFF  }
0xa5: {  	s26 =	simm.s32 $execute0_lowered;
	[smem:$0x3FD2] =	sst s25  }
0xa6: {  	s5 =	sshll.u32 s26, $0x1;
	_ =	strace $0x80000046;
	[dreg:$0x1] =	wrdreg $0xFFFFFFFF  }
0xa7: {  	s28 =	simm.s32 $_size_execute0_lowered;
	s3 =	sadd.s32 s3, s5;
	[dreg:$0x0] =	wrdreg $0x0  }
0xa8: {  	s5 =	sshll.u32 s28, $0x1;
	[dreg:$0x2] =	wrdreg s3  }
0xa9: {  	[dreg:$0x3] =	wrdreg s5  }
0xaa: {  	[dreg:$0x4] =	wrdreg $0xC0  }
0xab: {  	_ =	task [dreg:s7], $0x5FFFF  }
0xac: {  	[dreg:$0x1] =	wrdreg $0xFFFFFFFF  }
0xad: {  	[dreg:$0x0] =	wrdreg $0x60  }
0xae: {  	[dreg:$0x2] =	wrdreg s24  }
0xaf: {  	[dreg:$0x3] =	wrdreg s2  }
0xb0: {  	[dreg:$0x4] =	wrdreg $0x9  }
0xb1: {  	_ =	task.clear_ibuf [dreg:s7], $0x5FFFF;
	_ =	strace $0x90000046  }
0xb2: {  	s29 =	simm.s32 $0x9;
	_ =	strace $0x80000048  }
0xb3: {  	_ =	swait.ge [sflag:s29], $0x1  }
0xb4: {  	[sflag:s29] =	ssyncadd.s32 $0xFFFFFFFF  }
0xb5: {  	_ =	strace $0x90000048  }
0xb6: {  	_ =	sfence  }
0xb7: {  	s30 =	sld [smem:$0x0];
	_ =	sdelay $0x2  }
0xb8: {  	s31 =	sshll.u32 s1, $0xD;
	s1 =	sshrl.u32 s1, $0x2  }
0xb9: {  	s3 =	sand.u32 $0x4000, s31;
	s1 =	sadd.s32 s1, s30  }
0xba: {  	s0 =	sor.u32 s3, s0;
	s1 =	sshll.u32 s1, $0x11  }
0xbb: {  	s0 =	sor.u32 s1, s0  }
0xbc: {  	s0 =	sadd.s32 $0x8F2B, s0  }
0xbd: {  	[sflag:s0] =	ssyncadd.remote.s32 $0x1  }
0xbe: {  	_ =	sfence.sel $0xFFFF  }
0xbf: {  	[dreg:$0x0] =	wrdreg $0xFFFFFFFF;
	(pc) =	sbr.abs _section_cstart, $3  }
0xc0: {  	[dreg:$0x1] =	wrdreg $0xFFFFFFFF  }
0xc1: {  	_ =	task.clear_ibuf [dreg:s7], $0x2FFFF;
	_ =	strace $0x9FFFFFFF  }
0xc2: {  	(tm) =	ssettm $0x7FFFFFFF  }
0xc3: {  	_ =	shalt  }
tec
execute0_lowered:
.L_overlay_start_1:
0x0: {  	(tag) =	ssettag $0x1  }
0x1: {  	s1 =	srdreg.scid;
	s3 =	rddreg [dreg:$0x0]  }
0x2: {  	s0 =	stileid.u32;
	s8 =	rddreg [dreg:$0x1]  }
0x3: {  	s2 =	simm.s32 $0x0;
	s11 =	simm.s32 $0x800;
	s12 =	simm.s32 $0x80  }
0x4: {  	s4 =	sand.u32 $0x1, s1;
	s25 =	sshll.u32 s0, $0x1;
	s1 =	rddreg [dreg:$0x2]  }
0x5: {  	s13 =	simm.s32 $0x400;
	[smem:$0x7FF] =	sst s2;
	s5 =	sor.u32 s4, s25  }
0x6: {  	s28 =	sshrl.u32 s0, $0x2;
	_ =	strace $0x80000047;
	s6 =	smul.u32 $0x2710, s5  }
0x7: {  	s26 =	ssub.s32 $0x2, s4;
	s9 =	smul.u32 $0x14000, s28;
	s30 =	sshll.u32 s5, $0x7  }
0x8: {  	s29 =	sshrl.u32 s26, $0x1;
	s31 =	sand.u32 $0x380, s30;
	s6 =	sshrl.u32 s6, $0x3  }
0x9: {  	s10 =	ssub.s32 s26, s29;
	s9 =	sor.u32 s9, s31;
	s7 =	sadd.s32 s6, s3  }
0xa: {  	s9 =	sshrl.u32 s9, $0x3;
	s3 =	sadd.s32 $0xBA00, s7;
	s4 =	sadd.s32 $0xBAFA, s7  }
0xb: {  	s5 =	sadd.s32 $0xBBF4, s7;
	s6 =	sadd.s32 $0xBCEE, s7;
	s7 =	sadd.s32 $0xBDE8, s7  }
0xc: {  	v0 =	vimm.f32 $0.0e+00;
	v1 =	vimm.f32 $1.000000000e+00;
	s8 =	sadd.s32 s8, s9;
	s9 =	smax.u32 s10, $0x1;
	s10 =	simm.s32 $0x1  }
.LBB2_1:
0xd: {  	s14 =	simm.s32 $0x40;
	s15 =	simm.s32 $0x0  }
.LBB2_2:
0xe: {  	p0 =	sne.s32 s14, $0x9FC0;
	[tilespmem:s15+$0x800] =	vst v0;
	s15 =	smov.u32 s14;
	s14 =	sadd.s32 $0x40, s14  }
.Ltmp0:
0xf: {  	(pc) =	sbr.rel @p0 .LBB2_2-.Ltmp0, $2  }
0x10: {  	_ =	sdelay $0x2  }
0x11: {  	s15 =	sshra.s32 s15, $0x2  }
0x12: {  	[tilespmem:s15+$0x800] =	vst v0;
	s14 =	simm.s32 $0x0  }
0x13: {  	[tilespmem:s14], [sflag:$0x1] =	stream.linear.gather [hbm4b:s3+s14], $0x7D0, $0x38;
	[tilespmem:$0x3000] =	vst v63  }
0x14: {  	_ =	swait.ge [sflag:s10], $0x7D0  }
0x15: {  	[sflag:s10] =	ssyncset.done $0x0  }
0x16: {  	s15 =	simm.s32 $0x0;
	s14 =	simm.s32 $0x40;
	[sflag:s10] =	ssyncadd.s32 $0xFFFFF830  }
.LBB2_4:
0x17: {  	p0 =	sne.s32 s14, $0x1F00;
	v2 =	vld [tilespmem:s15+$0x0];
	_ =	sdelay $0x3  }
.Ltmp1:
0x18: {  	(pc) =	sbr.rel @p0 .LBB2_4-.Ltmp1, $2  }
0x19: {  	_ =	sdelay $0x2  }
0x1a: {  	s15 =	sshra.s32 s14, $0x2;
	s14 =	sadd.s32 $0x40, s14;
	[tilespmem:v2+s11+$0x0] =	vst.idx.add.f32.msk $0xffff, v1  }
0x1b: {  	v2 =	vld [tilespmem:s15+$0x0];
	_ =	sdelay $0x7  }
0x1c: {  	s14 =	simm.s32 $0x0;
	[tilespmem:v2+s11+$0x0] =	vst.idx.add.f32.msk $0xffff, v1  }
0x1d: {  	[tilespmem:s14], [sflag:$0x1] =	stream.linear.gather [hbm4b:s4+s14], $0x7D0, $0x38;
	[tilespmem:$0x3000] =	vst v63  }
0x1e: {  	_ =	swait.ge [sflag:s10], $0x7D0  }
0x1f: {  	[sflag:s10] =	ssyncset.done $0x0  }
0x20: {  	s15 =	simm.s32 $0x0;
	s14 =	simm.s32 $0x40;
	[sflag:s10] =	ssyncadd.s32 $0xFFFFF830  }
.LBB2_6:
0x21: {  	p0 =	sne.s32 s14, $0x1F00;
	v2 =	vld [tilespmem:s15+$0x0];
	_ =	sdelay $0x3  }
.Ltmp2:
0x22: {  	(pc) =	sbr.rel @p0 .LBB2_6-.Ltmp2, $2  }
0x23: {  	_ =	sdelay $0x2  }
0x24: {  	s15 =	sshra.s32 s14, $0x2;
	s14 =	sadd.s32 $0x40, s14;
	[tilespmem:v2+s11+$0x0] =	vst.idx.add.f32.msk $0xffff, v1  }
0x25: {  	v2 =	vld [tilespmem:s15+$0x0];
	_ =	sdelay $0x7  }
0x26: {  	s14 =	simm.s32 $0x0;
	[tilespmem:v2+s11+$0x0] =	vst.idx.add.f32.msk $0xffff, v1  }
0x27: {  	[tilespmem:s14], [sflag:$0x1] =	stream.linear.gather [hbm4b:s5+s14], $0x7D0, $0x38;
	[tilespmem:$0x3000] =	vst v63  }
0x28: {  	_ =	swait.ge [sflag:s10], $0x7D0  }
0x29: {  	[sflag:s10] =	ssyncset.done $0x0  }
0x2a: {  	s15 =	simm.s32 $0x0;
	s14 =	simm.s32 $0x40;
	[sflag:s10] =	ssyncadd.s32 $0xFFFFF830  }
.LBB2_8:
0x2b: {  	p0 =	sne.s32 s14, $0x1F00;
	v2 =	vld [tilespmem:s15+$0x0];
	_ =	sdelay $0x3  }
.Ltmp3:
0x2c: {  	(pc) =	sbr.rel @p0 .LBB2_8-.Ltmp3, $2  }
0x2d: {  	_ =	sdelay $0x2  }
0x2e: {  	s15 =	sshra.s32 s14, $0x2;
	s14 =	sadd.s32 $0x40, s14;
	[tilespmem:v2+s11+$0x0] =	vst.idx.add.f32.msk $0xffff, v1  }
0x2f: {  	v2 =	vld [tilespmem:s15+$0x0];
	_ =	sdelay $0x7  }
0x30: {  	s14 =	simm.s32 $0x0;
	[tilespmem:v2+s11+$0x0] =	vst.idx.add.f32.msk $0xffff, v1  }
0x31: {  	[tilespmem:s14], [sflag:$0x1] =	stream.linear.gather [hbm4b:s6+s14], $0x7D0, $0x38;
	[tilespmem:$0x3000] =	vst v63  }
0x32: {  	_ =	swait.ge [sflag:s10], $0x7D0  }
0x33: {  	[sflag:s10] =	ssyncset.done $0x0  }
0x34: {  	s15 =	simm.s32 $0x0;
	s14 =	simm.s32 $0x40;
	[sflag:s10] =	ssyncadd.s32 $0xFFFFF830  }
.LBB2_10:
0x35: {  	p0 =	sne.s32 s14, $0x1F00;
	v2 =	vld [tilespmem:s15+$0x0];
	_ =	sdelay $0x3  }
.Ltmp4:
0x36: {  	(pc) =	sbr.rel @p0 .LBB2_10-.Ltmp4, $2  }
0x37: {  	_ =	sdelay $0x2  }
0x38: {  	s15 =	sshra.s32 s14, $0x2;
	s14 =	sadd.s32 $0x40, s14;
	[tilespmem:v2+s11+$0x0] =	vst.idx.add.f32.msk $0xffff, v1  }
0x39: {  	v2 =	vld [tilespmem:s15+$0x0];
	_ =	sdelay $0x7  }
0x3a: {  	s14 =	simm.s32 $0x0;
	[tilespmem:v2+s11+$0x0] =	vst.idx.add.f32.msk $0xffff, v1  }
0x3b: {  	[tilespmem:s14], [sflag:$0x1] =	stream.linear.gather [hbm4b:s7+s14], $0x7D0, $0x38;
	[tilespmem:$0x3000] =	vst v63  }
0x3c: {  	_ =	swait.ge [sflag:s10], $0x7D0  }
0x3d: {  	[sflag:s10] =	ssyncset.done $0x0  }
0x3e: {  	s15 =	simm.s32 $0x0;
	s14 =	simm.s32 $0x40;
	[sflag:s10] =	ssyncadd.s32 $0xFFFFF830  }
.LBB2_12:
0x3f: {  	p0 =	sne.s32 s14, $0x1F00;
	v2 =	vld [tilespmem:s15+$0x0];
	_ =	sdelay $0x3  }
.Ltmp5:
0x40: {  	(pc) =	sbr.rel @p0 .LBB2_12-.Ltmp5, $2  }
0x41: {  	_ =	sdelay $0x2  }
0x42: {  	s15 =	sshra.s32 s14, $0x2;
	s14 =	sadd.s32 $0x40, s14;
	[tilespmem:v2+s11+$0x0] =	vst.idx.add.f32.msk $0xffff, v1  }
0x43: {  	v2 =	vld [tilespmem:s15+$0x0];
	_ =	sdelay $0x5  }
0x44: {  	s2 =	sadd.s32 $0x1, s2  }
0x45: {  	p0 =	sne.s32 s2, s9  }
.Ltmp6:
0x46: {  	[tilespmem:v2+s11+$0x0] =	vst.idx.add.f32.msk $0xffff, v1;
	(pc) =	sbr.rel @p0 .LBB2_1-.Ltmp6, $4  }
0x47: {  	[hbm4b:s8+s12] =	stream.strided.scatter [tilespmem:s11], [sflag:$0x1], $0x2800, s13, s12, $0x38;
	[tilespmem:$0x3000] =	vst v63  }
0x48: {  	_ =	swait.ge [sflag:s10], $0x2800  }
0x49: {  	[sflag:s10] =	ssyncset.done $0x0  }
0x4a: {  	[sflag:s10] =	ssyncadd.s32 $0xFFFFD800  }
0x4b: {  	_ =	sfence.sel $0x180000  }
0x4c: {  	[bflag:$0x0] =	sbarrier.arrive $0xFFFF  }
0x4d: {  	p0 =	sne.s32 s0, $0x0;
	_ =	strace $0x90000047  }
0x4e: {  	s0 =	sadd.s32 @!p0 $0x100000, s1;
	[bflag:$0x2] =	sbarrier.arrive $0xFFFF  }
0x4f: {  	[sflag:s0] =	ssyncadd.tile.s32 @!p0 $0x1;
	_ =	shalt  }
.Lfunc_end2:
_tile_overlayer_lowered:
.L_overlay_start_2:
0x50: {  	(tag) =	ssettag $0x2  }
0x51: {  	s0 =	rddreg [dreg:$0x0];
	s2 =	stileid.u32  }
0x52: {  	s1 =	rddreg [dreg:$0x1];
	p0 =	sne.s32 s2, $0x0  }
0x53: {  	s3 =	rddreg [dreg:$0x2];
	[bflag:$0x3] =	sbarrier.arrive $0xFFFF;
	s2 =	simm.s32 @!p0 $0x1C01  }
0x54: {  	[timem:s3], [sflag:s2] =	dma.local @!p0 [hbm:s0], s1  }
0x55: {  	s0 =	simm.s32 @!p0 $0x1  }
0x56: {  	_ =	swait.ge @!p0 [sflag:s0], s1  }
0x57: {  	s1 =	ssub.s32 @!p0 $0x0, s1;
	[sflag:s0] =	ssyncset.done @!p0 $0x0  }
0x58: {  	[sflag:s0] =	ssyncadd.s32 @!p0 s1  }
0x59: {  	[bflag:$0x3] =	sbarrier.arrive $0xFFFF  }
0x5a: {  	_ =	shalt  }

// kernel: kernel.9.cloned.1.call-start
scs
__scs_entry_jumppad:
0x0: {  	(pc) =	sbr.rel $0x88, $3  }
0x1: {  	(tag) =	ssettag $0x0;
	lr =	simm.s32 $0x1  }
0x2: {  	[smem:$0x3F95] =	sst lr;
	_ =	strace $0xD0000000  }
0x3: {  	_ = 	snop  }
0x4: {  	_ = 	snop  }
0x5: {  	_ = 	snop  }
0x6: {  	_ = 	snop  }
0x7: {  	_ = 	snop  }
__scs_overlays_trampoline_lowered:
0x8: {  	[smem:$0x3FA4] =	sst s0  }
0x9: {  	[smem:$0x3FA5] =	sst s1  }
0xa: {  	[smem:$0x3FA6] =	sst s2  }
0xb: {  	[smem:$0x3FA7] =	sst s3  }
0xc: {  	[smem:$0x3FA8] =	sst s4  }
0xd: {  	[smem:$0x3FA9] =	sst s5  }
0xe: {  	[smem:$0x3FAA] =	sst s6  }
0xf: {  	[smem:$0x3FAB] =	sst s7  }
0x10: {  	[smem:$0x3FAC] =	sst s8  }
0x11: {  	[smem:$0x3FAD] =	sst s9;
	s0 =	simm.s32 @!p0 $0x0  }
0x12: {  	s1 =	sld [smem:$0x3F93];
	s0 =	simm.s32 @p0 $0x1  }
0x13: {  	[smem:$0x3FAE] =	sst s0;
	s0 =	simm.s32 @!p1 $0x0  }
0x14: {  	s2 =	sld [smem:$0x3F92];
	s0 =	simm.s32 @p1 $0x1  }
0x15: {  	[smem:$0x3FAF] =	sst s0;
	s0 =	simm.s32 @!p2 $0x0  }
0x16: {  	s3 =	sld [smem:$0x3FDB];
	s0 =	simm.s32 @p2 $0x1  }
0x17: {  	s4 =	simm.s32 $0x1BF5;
	[smem:$0x3FB1] =	sst s0  }
0x18: {  	s0 =	sld [smem:$0x3F94];
	_ =	swait.ge [sflag:s4], $0x0  }
0x19: {  	s7 =	sld [smem:$0x3F95]  }
0x1a: {  	s8 =	sadd.s32 $0xFFFFE003, lr  }
0x1b: {  	s9 =	sadd.s32 $0xFFFFFEF7, lr;
	s5 =	simm.s32 $0xFFFFFFFF;
	p2 =	slt.u32 s8, $0xFFFFF086  }
0x1c: {  	p1 =	slt.u32 s9, $0xF7A;
	s5 =	simm.s32 @!p2 $0x0  }
0x1d: {  	s5 =	simm.s32 @p1 $0x1;
	p0 =	seq.s32 s7, s2  }
0x1e: {  	s7 =	smul.u32 @!p0 $0xF7A, s2;
	p2 =	seq.s32 @!p0 s5, $0x0  }
0x1f: {  	s9 =	smul.u32 $0xF7A, s1;
	s8 =	simm.s32 @!p0 $0x1BF5;
	p2 =	por !p2, p0  }
0x20: {  	[sflag:s8] =	ssyncset.s32 @!p0 $0xFFFFF086;
	s6 =	sadd.s32 @!p0 s3, s7;
	s7 =	simm.s32 @!p0 $0x108  }
0x21: {  	s3 =	sadd.s32 s3, s9;
	s6 =	sadd.s32 @!p0 $0x88, s6;
	s7 =	simm.s32 @p2 $0x1082  }
0x22: {  	[simem:s7], [sflag:s8] =	dma.local @!p0 [hbm:s6], $0xF7A  }
0x23: {  	s9 =	sor.u32 $0xD0000000, s2;
	s6 =	simm.s32 $0x108;
	_ =	swait.ge @!p0 [sflag:s8], $0x0  }
0x24: {  	s3 =	sadd.s32 $0x88, s3;
	s6 =	simm.s32 @!p1 $0x1082;
	[sflag:s4] =	ssyncset.s32 $0xFFFFF086  }
0x25: {  	[simem:s6], [sflag:s4] =	dma.local [hbm:s3], $0xF7A  }
0x26: {  	[smem:$0x3F95] =	sst s1;
	(tag) =	ssettag s2;
	_ =	strace s9  }
0x27: {  	s1 =	sld [smem:$0x3FA5]  }
0x28: {  	s2 =	sld [smem:$0x3FA6]  }
0x29: {  	s4 =	sld [smem:$0x3FA8]  }
0x2a: {  	p0 =	seq.s32 s5, $0x0;
	s5 =	sld [smem:$0x3FA9]  }
0x2b: {  	s6 =	sld [smem:$0x3FAA]  }
0x2c: {  	s7 =	sld [smem:$0x3FAB]  }
0x2d: {  	s3 =	simm.s32 $0x108;
	s8 =	sld [smem:$0x3FAC]  }
0x2e: {  	s3 =	simm.s32 @!p0 $0x1082;
	s9 =	sld [smem:$0x3FAD]  }
0x2f: {  	lr =	sadd.s32 s0, s3;
	s0 =	sld [smem:$0x3FA4]  }
0x30: {  	s3 =	sld [smem:$0x3FA7]  }
0x31: {  	[smem:$0x3FB0] =	sst s10  }
0x32: {  	s10 =	sld [smem:$0x3FAE];
	_ =	sdelay $0x3  }
0x33: {  	p0 =	seq.s32 s10, $0x1;
	s10 =	sld [smem:$0x3FB0];
	_ =	sdelay $0x3  }
0x34: {  	[smem:$0x3FB0] =	sst s10  }
0x35: {  	s10 =	sld [smem:$0x3FAF];
	_ =	sdelay $0x3  }
0x36: {  	p1 =	seq.s32 s10, $0x1;
	s10 =	sld [smem:$0x3FB0];
	_ =	sdelay $0x3  }
0x37: {  	[smem:$0x3FB0] =	sst s10  }
0x38: {  	s10 =	sld [smem:$0x3FB1]  }
0x39: {  	_ = 	snop;
	(pc) =	sbr.ind lr, $3  }
0x3a: {  	_ = 	snop  }
0x3b: {  	_ = 	snop  }
0x3c: {  	p2 =	seq.s32 s10, $0x1;
	s10 =	sld [smem:$0x3FB0]  }
0x3d: {  	_ =	shalt  }
0x3e: {  	_ =	shalt  }
0x3f: {  	_ =	shalt  }
0x40: {  	_ =	shalt  }
0x41: {  	_ =	shalt  }
0x42: {  	_ =	shalt  }
0x43: {  	_ =	shalt  }
0x44: {  	_ =	shalt  }
0x45: {  	_ =	shalt  }
0x46: {  	_ =	shalt  }
0x47: {  	_ =	shalt  }
0x48: {  	_ =	shalt  }
0x49: {  	_ =	shalt  }
0x4a: {  	_ =	shalt  }
0x4b: {  	_ =	shalt  }
0x4c: {  	_ =	shalt  }
0x4d: {  	_ =	shalt  }
0x4e: {  	_ =	shalt  }
0x4f: {  	_ =	shalt  }
0x50: {  	_ =	shalt  }
0x51: {  	_ =	shalt  }
0x52: {  	_ =	shalt  }
0x53: {  	_ =	shalt  }
0x54: {  	_ =	shalt  }
0x55: {  	_ =	shalt  }
0x56: {  	_ =	shalt  }
0x57: {  	_ =	shalt  }
0x58: {  	_ =	shalt  }
0x59: {  	_ =	shalt  }
0x5a: {  	_ =	shalt  }
0x5b: {  	_ =	shalt  }
0x5c: {  	_ =	shalt  }
0x5d: {  	_ =	shalt  }
0x5e: {  	_ =	shalt  }
0x5f: {  	_ =	shalt  }
0x60: {  	_ =	shalt  }
0x61: {  	_ =	shalt  }
0x62: {  	_ =	shalt  }
0x63: {  	_ =	shalt  }
0x64: {  	_ =	shalt  }
0x65: {  	_ =	shalt  }
0x66: {  	_ =	shalt  }
0x67: {  	_ =	shalt  }
0x68: {  	_ =	shalt  }
0x69: {  	_ =	shalt  }
0x6a: {  	_ =	shalt  }
0x6b: {  	_ =	shalt  }
0x6c: {  	_ =	shalt  }
0x6d: {  	_ =	shalt  }
0x6e: {  	_ =	shalt  }
0x6f: {  	_ =	shalt  }
0x70: {  	_ =	shalt  }
0x71: {  	_ =	shalt  }
0x72: {  	_ =	shalt  }
0x73: {  	_ =	shalt  }
0x74: {  	_ =	shalt  }
0x75: {  	_ =	shalt  }
0x76: {  	_ =	shalt  }
0x77: {  	_ =	shalt  }
0x78: {  	_ =	shalt  }
0x79: {  	_ =	shalt  }
0x7a: {  	_ =	shalt  }
0x7b: {  	_ =	shalt  }
0x7c: {  	_ =	shalt  }
0x7d: {  	_ =	shalt  }
0x7e: {  	_ =	shalt  }
0x7f: {  	_ =	shalt  }
0x80: {  	_ =	shalt  }
0x81: {  	_ =	shalt  }
0x82: {  	_ =	shalt  }
0x83: {  	_ =	shalt  }
0x84: {  	_ =	shalt  }
0x85: {  	_ =	shalt  }
0x86: {  	_ =	shalt  }
0x87: {  	_ =	shalt  }
.Lfunc_end0:
.L_simem_size_0:
called_computation.1_lowered:
.L_overlay_start_0:
0x88: {  	s2 =	sld [smem:$0x3FD9]  }
0x89: {  	s3 =	sld [smem:$0x3FFE];
	_ =	sdelay $0x1  }
0x8a: {  	s1 =	srdreg.scid  }
0x8b: {  	s0 =	sand.u32 $0x1, s1  }
0x8c: {  	s17 =	sshll.u32 s0, $0xA;
	s2 =	sadd.s32 s3, s2  }
0x8d: {  	s2 =	sadd.s32 s2, s17  }
0x8e: {  	[smem:$0x3FBC] =	sst s2  }
0x8f: {  	_ = 	snop  }
0x90: {  	s2 =	sld [smem:$0x3FD0];
	(tm) =	ssettm $0x1  }
0x91: {  	s18 =	sld [smem:$0x3FFB];
	_ =	sdelay $0x3  }
0x92: {  	_ =	strace s18  }
0x93: {  	s3 =	sld [smem:$0x3FFC];
	_ =	sdelay $0x3  }
0x94: {  	_ =	strace s3  }
0x95: {  	s3 =	sld [smem:$0x3FFD];
	_ =	sdelay $0x3  }
0x96: {  	_ =	strace s3  }
0x97: {  	_ =	strace $0x8FFFFFFF  }
0x98: {  	s19 =	sld [smem:$0x3FDB];
	_ =	sdelay $0x1  }
0x99: {  	s4 =	simm.s32 $_scs_section_size  }
0x9a: {  	s5 =	simm.s32 $_size__tile_overlayer_lowered;
	s6 =	simm.s32 $_tile_overlayer_lowered  }
0x9b: {  	s22 =	simm.s32 $0x1BFF;
	s21 =	sshll.u32 s6, $0x1;
	s3 =	sadd.s32 s4, s19  }
0x9c: {  	s7 =	simm.s32 $0x0;
	s20 =	sshll.u32 s5, $0x1;
	s5 =	sadd.s32 s21, s3  }
0x9d: {  	[timem:s7], [sflag:s22] =	dma.local [hbm:s5], s20  }
0x9e: {  	_ =	swait.ge [sflag:s22], s20  }
0x9f: {  	s4 =	ssub.s32 $0x0, s20;
	[sflag:s22] =	ssyncset.done $0x0  }
0xa0: {  	[sflag:s22] =	ssyncadd.s32 s4;
	_ =	sdelay $0x1  }
0xa1: {  	s23 =	simm.s32 $0x1B8B  }
0xa2: {  	_ =	swait.ge [sflag:s23], $0x1  }
0xa3: {  	[sflag:s23] =	ssyncset.done $0x0  }
0xa4: {  	s25 =	simm.s32 $0x1B8E;
	s24 =	sld [smem:$0x3FFE];
	[sflag:s23] =	ssyncadd.s32 $0xFFFFFFFF  }
0xa5: {  	s26 =	simm.s32 $execute0_lowered;
	[smem:$0x3FD2] =	sst s25  }
0xa6: {  	s5 =	sshll.u32 s26, $0x1;
	_ =	strace $0x80000049;
	[dreg:$0x1] =	wrdreg $0xFFFFFFFF  }
0xa7: {  	s28 =	simm.s32 $_size_execute0_lowered;
	s3 =	sadd.s32 s3, s5;
	[dreg:$0x0] =	wrdreg $0x0  }
0xa8: {  	s5 =	sshll.u32 s28, $0x1;
	[dreg:$0x2] =	wrdreg s3  }
0xa9: {  	[dreg:$0x3] =	wrdreg s5  }
0xaa: {  	[dreg:$0x4] =	wrdreg $0xC0  }
0xab: {  	_ =	task [dreg:s7], $0x5FFFF  }
0xac: {  	[dreg:$0x1] =	wrdreg $0xFFFFFFFF  }
0xad: {  	[dreg:$0x0] =	wrdreg $0x60  }
0xae: {  	[dreg:$0x2] =	wrdreg s2  }
0xaf: {  	[dreg:$0x3] =	wrdreg s24  }
0xb0: {  	[dreg:$0x4] =	wrdreg $0x7E000  }
0xb1: {  	[dreg:$0x5] =	wrdreg $0x9  }
0xb2: {  	_ =	task.clear_ibuf [dreg:s7], $0x6FFFF;
	_ =	strace $0x90000049  }
0xb3: {  	s29 =	simm.s32 $0x9;
	_ =	strace $0x8000004B  }
0xb4: {  	_ =	swait.ge [sflag:s29], $0x1  }
0xb5: {  	[sflag:s29] =	ssyncadd.s32 $0xFFFFFFFF  }
0xb6: {  	_ =	strace $0x9000004B  }
0xb7: {  	_ =	sfence  }
0xb8: {  	s30 =	sld [smem:$0x0];
	_ =	sdelay $0x2  }
0xb9: {  	s31 =	sshll.u32 s1, $0xD;
	s1 =	sshrl.u32 s1, $0x2  }
0xba: {  	s3 =	sand.u32 $0x4000, s31;
	s1 =	sadd.s32 s1, s30  }
0xbb: {  	s0 =	sor.u32 s3, s0;
	s1 =	sshll.u32 s1, $0x11  }
0xbc: {  	s0 =	sor.u32 s1, s0  }
0xbd: {  	s0 =	sadd.s32 $0x8F2B, s0  }
0xbe: {  	[sflag:s0] =	ssyncadd.remote.s32 $0x1  }
0xbf: {  	_ =	sfence.sel $0xFFFF  }
0xc0: {  	[dreg:$0x0] =	wrdreg $0xFFFFFFFF;
	(pc) =	sbr.abs _section_cstart, $3  }
0xc1: {  	[dreg:$0x1] =	wrdreg $0xFFFFFFFF  }
0xc2: {  	_ =	task.clear_ibuf [dreg:s7], $0x2FFFF;
	_ =	strace $0x9FFFFFFF  }
0xc3: {  	(tm) =	ssettm $0x7FFFFFFF  }
tec
execute0_lowered:
.L_overlay_start_1:
0x0: {  	(tag) =	ssettag $0x1  }
0x1: {  	s2 =	rddreg [dreg:$0x1]  }
0x2: {  	s0 =	simm.s32 $0x0;
	s4 =	srdreg.scid;
	s18 =	stileid.u32  }
0x3: {  	[smem:$0x7FF] =	sst s0;
	s7 =	smul.u32 $0x50000, s18  }
0x4: {  	s1 =	sadd.s32 $0x1C00, s2;
	s4 =	sand.u32 $0x1, s4;
	s9 =	smul.u32 $0x14000, s18  }
0x5: {  	s3 =	sadd.s32 $0xBA00, s2;
	s6 =	sshll.u32 s18, $0x1;
	s13 =	smul.u32 $0x140000, s4  }
0x6: {  	s5 =	ssub.s32 $0x2, s4;
	s6 =	sor.u32 s4, s6;
	s4 =	smul.u32 $0x2710, s4  }
0x7: {  	s10 =	sadd.s32 $0x15800, s2;
	s8 =	sshrl.u32 s5, $0x1;
	s23 =	smul.u32 $0x2710, s6  }
0x8: {  	s6 =	sshrl.u32 s7, $0x2;
	s7 =	sor.u32 $0x2800, s9;
	s11 =	sadd.s32 $0x7800, s9  }
0x9: {  	s12 =	sadd.s32 $0xA000, s9;
	s16 =	sadd.s32 $0xC800, s9;
	s19 =	sadd.s32 $0xF000, s9  }
0xa: {  	s21 =	sadd.s32 $0x11800, s9;
	s2 =	ssub.s32 s5, s8;
	s8 =	sadd.s32 $0x5000, s9  }
0xb: {  	s9 =	sadd.s32 s9, s13;
	s14 =	sadd.s32 s13, s7;
	s26 =	sadd.s32 s13, s11  }
0xc: {  	s17 =	sadd.s32 s13, s12;
	s5 =	sshrl.u32 s23, $0x3;
	s9 =	sshrl.u32 s9, $0x3  }
0xd: {  	s14 =	sshrl.u32 s14, $0x3;
	s25 =	sadd.s32 s13, s8;
	s20 =	sshrl.u32 s17, $0x3  }
0xe: {  	s23 =	sadd.s32 s13, s16;
	s17 =	rddreg [dreg:$0x0];
	s9 =	sadd.s32 s10, s9  }
0xf: {  	s15 =	sadd.s32 $0xA, s5;
	s24 =	sadd.s32 s10, s14;
	[dreg:$0x4] =	wrdreg s9  }
0x10: {  	s14 =	sshrl.u32 s26, $0x3;
	s22 =	sadd.s32 s10, s20;
	[dreg:$0x5] =	wrdreg s24  }
0x11: {  	s9 =	sshrl.u32 s25, $0x3;
	[dreg:$0x8] =	wrdreg s22;
	s20 =	sadd.s32 s1, s15  }
0x12: {  	s24 =	sadd.s32 s13, s19;
	s22 =	sadd.s32 s3, s15;
	[dreg:$0xc] =	wrdreg s20  }
0x13: {  	s25 =	smul.u32 $0x4E20, s18;
	s9 =	sadd.s32 s10, s9;
	[dreg:$0xd] =	wrdreg s22  }
0x14: {  	s13 =	sadd.s32 s13, s21;
	[dreg:$0x6] =	wrdreg s9;
	s9 =	sadd.s32 s10, s14  }
0x15: {  	s14 =	sshrl.u32 s24, $0x3;
	s24 =	sadd.s32 s1, s5;
	[dreg:$0x7] =	wrdreg s9  }
0x16: {  	s4 =	sadd.s32 s4, s25;
	s25 =	sadd.s32 s3, s5;
	[dreg:$0x10] =	wrdreg s24  }
0x17: {  	s18 =	sadd.s32 $0x14, s5;
	s26 =	sadd.s32 s10, s14;
	[dreg:$0x11] =	wrdreg s25  }
0x18: {  	s9 =	sshrl.u32 s23, $0x3;
	s23 =	sadd.s32 s1, s18;
	[dreg:$0xa] =	wrdreg s26  }
0x19: {  	s5 =	sadd.s32 $0x1E, s5;
	s9 =	sadd.s32 s10, s9;
	[dreg:$0xe] =	wrdreg s23  }
0x1a: {  	s14 =	sshrl.u32 s13, $0x3;
	s26 =	sadd.s32 s1, s5;
	[dreg:$0x9] =	wrdreg s9  }
0x1b: {  	s4 =	sadd.s32 $0x140, s4;
	s5 =	sadd.s32 s3, s5;
	[dreg:$0x12] =	wrdreg s26  }
0x1c: {  	s4 =	sshrl.u32 s4, $0x3;
	s9 =	sadd.s32 s10, s14;
	[dreg:$0x13] =	wrdreg s5  }
0x1d: {  	s14 =	sadd.s32 s4, s1;
	s1 =	simm.s32 $0x600;
	[dreg:$0xb] =	wrdreg s9  }
0x1e: {  	s5 =	simm.s32 $0x100;
	s9 =	sadd.s32 s3, s18;
	s18 =	rddreg [dreg:$0x2]  }
0x1f: {  	s10 =	simm.s32 $0x5600;
	s3 =	sadd.s32 s4, s3;
	[dreg:$0xf] =	wrdreg s9  }
0x20: {  	s4 =	simm.s32 $0x80;
	[dreg:$0x14] =	wrdreg s3;
	s23 =	sadd.s32 s6, s18  }
0x21: {  	s24 =	sadd.s32 s7, s18;
	s25 =	sadd.s32 s8, s18;
	s26 =	sadd.s32 s11, s18  }
.Ltmp0:
0x22: {  	s28 =	sadd.s32 s12, s18;
	s29 =	sadd.s32 s16, s18;
	(pc) =	sbr.rel .LBB2_1-.Ltmp0, $4  }
0x23: {  	s30 =	sadd.s32 s19, s18;
	s31 =	sadd.s32 s21, s18;
	s16 =	smax.u32 s2, $0x1  }
0x24: {  	s2 =	simm.s32 $0xD;
	s3 =	simm.s32 $0x300;
	s6 =	simm.s32 $0x480  }
0x25: {  	s7 =	simm.s32 $0x50;
	s8 =	simm.s32 $0x1;
	s9 =	simm.s32 $0x9  }
0x26: {  	v0 =	vimm.f32 $0.0e+00;
	s11 =	simm.s32 $0x5;
	s12 =	simm.s32 $0x6;
	_ =	strace $0x8000004A  }
.LBB2_13:
0x27: {  	_ =	swait.ge [sflag:s11], $0x2800  }
0x28: {  	[sflag:s11] =	ssyncset.done $0x0  }
0x29: {  	s13 =	stileid.u32;
	[sflag:s11] =	ssyncadd.s32 $0xFFFFD800  }
0x2a: {  	s13 =	sshll.u32 s13, $0x6;
	[bflag:$0x0] =	sbarrier.arrive $0xFFFF  }
0x2b: {  	s15 =	sshrl.u32 s23, $0x3;
	s13 =	sor.u32 $0x1C0D, s13;
	s19 =	rddreg [dreg:$0x4]  }
0x2c: {  	[hbm:s19], [sflag:s13] =	dma.local [spmem:s15], $0x500  }
0x2d: {  	_ =	swait.ge [sflag:s2], $0x500  }
0x2e: {  	[sflag:s2] =	ssyncset.done $0x0  }
0x2f: {  	s21 =	sshrl.u32 s24, $0x3;
	s22 =	rddreg [dreg:$0x5];
	[sflag:s2] =	ssyncadd.s32 $0xFFFFFB00  }
0x30: {  	[hbm:s22], [sflag:s13] =	dma.local [spmem:s21], $0x500  }
0x31: {  	_ =	swait.ge [sflag:s2], $0x500  }
0x32: {  	[sflag:s2] =	ssyncset.done $0x0  }
0x33: {  	s19 =	sshrl.u32 s25, $0x3;
	s20 =	rddreg [dreg:$0x6];
	[sflag:s2] =	ssyncadd.s32 $0xFFFFFB00  }
0x34: {  	[hbm:s20], [sflag:s13] =	dma.local [spmem:s19], $0x500  }
0x35: {  	_ =	swait.ge [sflag:s2], $0x500  }
0x36: {  	[sflag:s2] =	ssyncset.done $0x0  }
0x37: {  	s21 =	sshrl.u32 s26, $0x3;
	s22 =	rddreg [dreg:$0x7];
	[sflag:s2] =	ssyncadd.s32 $0xFFFFFB00  }
0x38: {  	[hbm:s22], [sflag:s13] =	dma.local [spmem:s21], $0x500  }
0x39: {  	_ =	swait.ge [sflag:s2], $0x500  }
0x3a: {  	[sflag:s2] =	ssyncset.done $0x0  }
0x3b: {  	s19 =	sshrl.u32 s28, $0x3;
	s20 =	rddreg [dreg:$0x8];
	[sflag:s2] =	ssyncadd.s32 $0xFFFFFB00  }
0x3c: {  	[hbm:s20], [sflag:s13] =	dma.local [spmem:s19], $0x500  }
0x3d: {  	_ =	swait.ge [sflag:s2], $0x500  }
0x3e: {  	[sflag:s2] =	ssyncset.done $0x0  }
0x3f: {  	s21 =	sshrl.u32 s29, $0x3;
	s22 =	rddreg [dreg:$0x9];
	[sflag:s2] =	ssyncadd.s32 $0xFFFFFB00  }
0x40: {  	[hbm:s22], [sflag:s13] =	dma.local [spmem:s21], $0x500  }
0x41: {  	_ =	swait.ge [sflag:s2], $0x500  }
0x42: {  	[sflag:s2] =	ssyncset.done $0x0  }
0x43: {  	s19 =	sshrl.u32 s30, $0x3;
	s20 =	rddreg [dreg:$0xa];
	[sflag:s2] =	ssyncadd.s32 $0xFFFFFB00  }
0x44: {  	[hbm:s20], [sflag:s13] =	dma.local [spmem:s19], $0x500  }
0x45: {  	s0 =	sadd.s32 $0x1, s0;
	_ =	swait.ge [sflag:s2], $0x500  }
0x46: {  	p0 =	sne.s32 s0, s16;
	s21 =	sshrl.u32 s31, $0x3;
	[sflag:s2] =	ssyncset.done $0x0  }
.Ltmp1:
0x47: {  	s22 =	rddreg [dreg:$0xb];
	[sflag:s2] =	ssyncadd.s32 $0xFFFFFB00;
	(pc) =	sbr.rel @!p0 .LBB2_14-.Ltmp1, $4  }
0x48: {  	[hbm:s22], [sflag:s13] =	dma.local [spmem:s21], $0x500  }
0x49: {  	_ =	swait.ge [sflag:s2], $0x500  }
0x4a: {  	[sflag:s2] =	ssyncset.done $0x0  }
0x4b: {  	[sflag:s2] =	ssyncadd.s32 $0xFFFFFB00  }
.LBB2_1:
0x4c: {  	s13 =	simm.s32 $0x0;
	s21 =	simm.s32 $0x200  }
.LBB2_2:
0x4d: {  	p0 =	sne.s32 s21, $0x9E00;
	[tilespmem:s13+$0x670] =	vst v0  }
0x4e: {  	[tilespmem:s13+$0x600] =	vst v0  }
0x4f: {  	[tilespmem:s13+$0x610] =	vst v0  }
.Ltmp2:
0x50: {  	[tilespmem:s13+$0x620] =	vst v0;
	(pc) =	sbr.rel @p0 .LBB2_2-.Ltmp2, $4  }
0x51: {  	[tilespmem:s13+$0x630] =	vst v0  }
0x52: {  	[tilespmem:s13+$0x640] =	vst v0  }
0x53: {  	[tilespmem:s13+$0x650] =	vst v0  }
0x54: {  	[tilespmem:s13+$0x660] =	vst v0;
	s13 =	sshra.s32 s21, $0x2;
	s21 =	sadd.s32 $0x200, s21  }
0x55: {  	[tilespmem:s13+$0x670] =	vst v0  }
0x56: {  	[tilespmem:s13+$0x600] =	vst v0  }
0x57: {  	[tilespmem:s13+$0x610] =	vst v0  }
0x58: {  	[tilespmem:s13+$0x620] =	vst v0  }
0x59: {  	[tilespmem:s13+$0x630] =	vst v0  }
0x5a: {  	[tilespmem:s13+$0x640] =	vst v0  }
0x5b: {  	[tilespmem:s13+$0x650] =	vst v0  }
0x5c: {  	[tilespmem:s13+$0x660] =	vst v0  }
0x5d: {  	[spmem:s23] =	stream.linear.scatter [tilespmem:s1], [sflag:$0xD], $0x2800, $0x38;
	[tilespmem:$0x1BE00] =	vst v63  }
0x5e: {  	_ =	swait.ge [sflag:s2], $0x2800  }
0x5f: {  	[sflag:s2] =	ssyncset.done $0x0  }
0x60: {  	[sflag:s2] =	ssyncadd.s32 $0xFFFFD800  }
0x61: {  	[spmem:s24] =	stream.linear.scatter [tilespmem:s1], [sflag:$0xD], $0x2800, $0x38;
	[tilespmem:$0x1BE00] =	vst v63  }
0x62: {  	_ =	swait.ge [sflag:s2], $0x2800  }
0x63: {  	[sflag:s2] =	ssyncset.done $0x0  }
0x64: {  	[sflag:s2] =	ssyncadd.s32 $0xFFFFD800  }
0x65: {  	[spmem:s25] =	stream.linear.scatter [tilespmem:s1], [sflag:$0xD], $0x2800, $0x38;
	[tilespmem:$0x1BE00] =	vst v63  }
0x66: {  	_ =	swait.ge [sflag:s2], $0x2800  }
0x67: {  	[sflag:s2] =	ssyncset.done $0x0  }
0x68: {  	[sflag:s2] =	ssyncadd.s32 $0xFFFFD800  }
0x69: {  	[spmem:s26] =	stream.linear.scatter [tilespmem:s1], [sflag:$0xD], $0x2800, $0x38;
	[tilespmem:$0x1BE00] =	vst v63  }
0x6a: {  	_ =	swait.ge [sflag:s2], $0x2800  }
0x6b: {  	[sflag:s2] =	ssyncset.done $0x0  }
0x6c: {  	[sflag:s2] =	ssyncadd.s32 $0xFFFFD800  }
0x6d: {  	[spmem:s28] =	stream.linear.scatter [tilespmem:s1], [sflag:$0xD], $0x2800, $0x38;
	[tilespmem:$0x1BE00] =	vst v63  }
0x6e: {  	_ =	swait.ge [sflag:s2], $0x2800  }
0x6f: {  	[sflag:s2] =	ssyncset.done $0x0  }
0x70: {  	[sflag:s2] =	ssyncadd.s32 $0xFFFFD800  }
0x71: {  	[spmem:s29] =	stream.linear.scatter [tilespmem:s1], [sflag:$0xD], $0x2800, $0x38;
	[tilespmem:$0x1BE00] =	vst v63  }
0x72: {  	_ =	swait.ge [sflag:s2], $0x2800  }
0x73: {  	[sflag:s2] =	ssyncset.done $0x0  }
0x74: {  	[sflag:s2] =	ssyncadd.s32 $0xFFFFD800  }
0x75: {  	[spmem:s30] =	stream.linear.scatter [tilespmem:s1], [sflag:$0xD], $0x2800, $0x38;
	[tilespmem:$0x1BE00] =	vst v63  }
0x76: {  	_ =	swait.ge [sflag:s2], $0x2800  }
0x77: {  	[sflag:s2] =	ssyncset.done $0x0  }
0x78: {  	[sflag:s2] =	ssyncadd.s32 $0xFFFFD800  }
0x79: {  	[spmem:s31] =	stream.linear.scatter [tilespmem:s1], [sflag:$0xD], $0x2800, $0x38;
	[tilespmem:$0x1BE00] =	vst v63  }
0x7a: {  	_ =	swait.ge [sflag:s2], $0x2800  }
0x7b: {  	[sflag:s2] =	ssyncset.done $0x0  }
0x7c: {  	[sflag:s2] =	ssyncadd.s32 $0xFFFFD800  }
0x7d: {  	[bflag:$0x0] =	sbarrier.arrive $0xFFFF  }
0x7e: {  	s13 =	simm.s32 $0x0;
	s15 =	rddreg [dreg:$0x10]  }
0x7f: {  	[tilespmem:s13], [sflag:$0xD] =	stream.linear.gather [hbm4b:s15+s13], $0x50, $0x38;
	[tilespmem:$0x1BE00] =	vst v63  }
0x80: {  	_ =	swait.ge [sflag:s2], $0x50  }
0x81: {  	[sflag:s2] =	ssyncset.done $0x0  }
0x82: {  	s20 =	rddreg [dreg:$0x11];
	[sflag:s2] =	ssyncadd.s32 $0xFFFFFFB0  }
0x83: {  	[tilespmem:s3], [sflag:$0xD] =	stream.linear.gather [hbm4b:s20+s13], $0x50, $0x38;
	[tilespmem:$0x1BE00] =	vst v63  }
0x84: {  	_ =	swait.ge [sflag:s2], $0x50  }
0x85: {  	[sflag:s2] =	ssyncset.done $0x0  }
0x86: {  	s21 =	rddreg [dreg:$0xc];
	[sflag:s2] =	ssyncadd.s32 $0xFFFFFFB0  }
0x87: {  	[tilespmem:s4], [sflag:$0xD] =	stream.linear.gather [hbm4b:s21+s13], $0x50, $0x38;
	[tilespmem:$0x1BE00] =	vst v63  }
0x88: {  	_ =	swait.ge [sflag:s2], $0x50  }
0x89: {  	[sflag:s2] =	ssyncset.done $0x0  }
0x8a: {  	s19 =	simm.s32 $0x380;
	s22 =	rddreg [dreg:$0xd];
	[sflag:s2] =	ssyncadd.s32 $0xFFFFFFB0  }
0x8b: {  	[tilespmem:s19], [sflag:$0xD] =	stream.linear.gather [hbm4b:s22+s13], $0x50, $0x38;
	[tilespmem:$0x1BE00] =	vst v63  }
0x8c: {  	_ =	swait.ge [sflag:s2], $0x50  }
0x8d: {  	[sflag:s2] =	ssyncset.done $0x0  }
0x8e: {  	s20 =	rddreg [dreg:$0xe];
	[sflag:s2] =	ssyncadd.s32 $0xFFFFFFB0  }
0x8f: {  	[tilespmem:s5], [sflag:$0x9] =	stream.linear.gather [hbm4b:s20+s13], $0x50, $0x38;
	[tilespmem:$0x1BE00] =	vst v63  }
0x90: {  	s22 =	simm.s32 $0x400;
	s21 =	rddreg [dreg:$0xf]  }
0x91: {  	[tilespmem:s22], [sflag:$0x9] =	stream.linear.gather [hbm4b:s21+s13], $0x50, $0x38;
	[tilespmem:$0x1BE00] =	vst v63  }
0x92: {  	s19 =	rddreg [dreg:$0x12];
	s20 =	simm.s32 $0x180  }
0x93: {  	[tilespmem:s20], [sflag:$0xA] =	stream.linear.gather [hbm4b:s19+s13], $0x50, $0x38;
	[tilespmem:$0x1BE00] =	vst v63  }
0x94: {  	s21 =	rddreg [dreg:$0x13]  }
0x95: {  	[tilespmem:s6], [sflag:$0xA] =	stream.linear.gather [hbm4b:s21+s13], $0x50, $0x38;
	[tilespmem:$0x1BE00] =	vst v63  }
.Ltmp3:
0x96: {  	_ = 	snop;
	(pc) =	sbr.rel .LBB2_4-.Ltmp3, $4  }
0x97: {  	[tilespmem:s1], [sflag:$0x1] =	stream.indirect.gather [hbm4b:s17+s7], $0x80, s13, s7, $0xb8;
	[tilespmem:$0x1BE00] =	vst v63  }
0x98: {  	s22 =	simm.s32 $0x2E00  }
0x99: {  	[tilespmem:s22], [sflag:$0x2] =	stream.indirect.gather [hbm4b:s17+s7], $0x80, s4, s7, $0xb8;
	[tilespmem:$0x1BE00] =	vst v63  }
0x9a: {  	s21 =	rddreg [dreg:$0x14];
	s22 =	smov.u32 s14  }
.LBB2_11:
0x9b: {  	_ =	swait.ge [sflag:s8], $0x2800  }
0x9c: {  	[sflag:s8] =	ssyncset.done $0x0  }
0x9d: {  	[sflag:s8] =	ssyncadd.s32 $0xFFFFD800  }
0x9e: {  	[spmem:s18] =	stream.indirect.scatter.add.f32 [tilespmem:s1], [sflag:$0x4], $0x80, s6, s7, $0xb8;
	[tilespmem:$0x1BE00] =	vst v63  }
0x9f: {  	_ =	swait.ge [sflag:s12], $0x2800  }
0xa0: {  	p0 =	sgt.u32 s13, $0x7A;
	[sflag:s12] =	ssyncset.done $0x0  }
0xa1: {  	s15 =	simm.s32 @!p0 $0xC;
	[sflag:s12] =	ssyncadd.s32 $0xFFFFD800  }
0xa2: {  	_ =	swait.ge @!p0 [sflag:s15], $0x50  }
0xa3: {  	[sflag:s15] =	ssyncset.done @!p0 $0x0  }
0xa4: {  	[sflag:s15] =	ssyncadd.s32 @!p0 $0xFFFFFFB0  }
0xa5: {  	_ =	swait.ge @!p0 [sflag:s15], $0x50  }
0xa6: {  	s19 =	simm.s32 @!p0 $0x280;
	s20 =	simm.s32 @!p0 $0x5600;
	[sflag:s15] =	ssyncset.done @!p0 $0x0  }
0xa7: {  	p1 =	sgt.u32 @!p0 s13, $0x78;
	[sflag:s15] =	ssyncadd.s32 @!p0 $0xFFFFFFB0;
	s15 =	simm.s32 @!p0 $0x50  }
0xa8: {  	[tilespmem:s20], [sflag:$0x3] =	stream.indirect.gather @!p0 [hbm4b:s17+s15], $0x80, s19, s15, $0xb8;
	[tilespmem:$0x1BE00] =	vst v63  }
0xa9: {  	p0 =	por p1, p0  }
0xaa: {  	s15 =	simm.s32 @!p0 $0x0;
	s19 =	simm.s32 @!p0 $0x80  }
0xab: {  	[tilespmem:s19], [sflag:$0x8] =	stream.linear.gather @!p0 [hbm4b:s22+s15], $0x50, $0x38;
	[tilespmem:$0x1BE00] =	vst v63  }
0xac: {  	s19 =	simm.s32 @!p0 $0x380  }
0xad: {  	[tilespmem:s19], [sflag:$0x8] =	stream.linear.gather @!p0 [hbm4b:s21+s15], $0x50, $0x38;
	[tilespmem:$0x1BE00] =	vst v63  }
.LBB2_12:
0xae: {  	s13 =	sadd.s32 $0x1, s13  }
0xaf: {  	p0 =	sne.s32 s13, $0x7D  }
.Ltmp4:
0xb0: {  	_ = 	snop;
	(pc) =	sbr.rel @!p0 .LBB2_13-.Ltmp4, $2  }
0xb1: {  	_ =	sdelay $0x2  }
0xb2: {  	s21 =	sadd.s32 $0xA, s21;
	s22 =	sadd.s32 $0xA, s22  }
.LBB2_4:
0xb3: {  	s19 =	smul.u32 $0xAB, s13;
	_ =	sdelay $0x1  }
0xb4: {  	s19 =	sshrl.u32 s19, $0xA  }
0xb5: {  	s19 =	sand.u32 $0x3F, s19  }
0xb6: {  	s19 =	smul.u32 $0x6, s19;
	_ =	sdelay $0x1  }
0xb7: {  	s19 =	ssub.s32 s13, s19  }
0xb8: {  	s19 =	sand.u32 $0xFF, s19  }
0xb9: {  	p0 =	sgt.s32 s19, $0x2  }
.Ltmp5:
0xba: {  	_ = 	snop;
	(pc) =	sbr.rel @p0 .LBB2_7-.Ltmp5, $1  }
0xbb: {  	_ =	sdelay $0x3  }
0xbc: {  	p0 =	seq.s32 s19, $0x0  }
.Ltmp6:
0xbd: {  	_ = 	snop;
	(pc) =	sbr.rel @p0 .LBB2_9-.Ltmp6, $1  }
0xbe: {  	_ =	sdelay $0x3  }
0xbf: {  	p0 =	seq.s32 s19, $0x1  }
0xc0: {  	s19 =	simm.s32 @p0 $0x2  }
0xc1: {  	_ =	swait.ge @p0 [sflag:s19], $0x2800  }
0xc2: {  	s20 =	simm.s32 @p0 $0x380;
	[sflag:s19] =	ssyncset.done @p0 $0x0  }
0xc3: {  	s15 =	simm.s32 @p0 $0x2E00;
	[sflag:s19] =	ssyncadd.s32 @p0 $0xFFFFD800;
	s19 =	simm.s32 @p0 $0x50  }
0xc4: {  	[spmem:s18] =	stream.indirect.scatter.add.f32 @p0 [tilespmem:s15], [sflag:$0x5], $0x80, s20, s19, $0xb8;
	[tilespmem:$0x1BE00] =	vst v63  }
0xc5: {  	s15 =	simm.s32 @p0 $0x4  }
0xc6: {  	p1 =	sgt.u32 @p0 s13, $0x7A;
	_ =	swait.ge @p0 [sflag:s15], $0x2800  }
0xc7: {  	p2 =	por p1, !p0;
	[sflag:s15] =	ssyncset.done @p0 $0x0  }
0xc8: {  	[sflag:s15] =	ssyncadd.s32 @p0 $0xFFFFD800;
	s15 =	simm.s32 @!p2 $0xA  }
0xc9: {  	_ =	swait.ge @!p2 [sflag:s15], $0x50  }
0xca: {  	[sflag:s15] =	ssyncset.done @!p2 $0x0  }
0xcb: {  	[sflag:s15] =	ssyncadd.s32 @!p2 $0xFFFFFFB0  }
0xcc: {  	_ =	swait.ge @!p2 [sflag:s15], $0x50  }
0xcd: {  	s19 =	simm.s32 @!p2 $0x180;
	[sflag:s15] =	ssyncset.done @!p2 $0x0  }
0xce: {  	s20 =	simm.s32 @!p2 $0x600;
	[sflag:s15] =	ssyncadd.s32 @!p2 $0xFFFFFFB0;
	s15 =	simm.s32 @!p2 $0x50  }
0xcf: {  	[tilespmem:s20], [sflag:$0x1] =	stream.indirect.gather @!p2 [hbm4b:s17+s15], $0x80, s19, s15, $0xb8;
	[tilespmem:$0x1BE00] =	vst v63  }
0xd0: {  	p2 =	sgt.u32 @!p2 s13, $0x78  }
0xd1: {  	p1 =	por @p0 p2, p1  }
0xd2: {  	p1 =	por p1, !p0  }
0xd3: {  	s15 =	simm.s32 @!p1 $0x0;
	s19 =	simm.s32 @!p1 $0x280  }
0xd4: {  	[tilespmem:s19], [sflag:$0xC] =	stream.linear.gather @!p1 [hbm4b:s22+s15], $0x50, $0x38;
	[tilespmem:$0x1BE00] =	vst v63  }
0xd5: {  	s19 =	simm.s32 @!p1 $0x580  }
0xd6: {  	[tilespmem:s19], [sflag:$0xC] =	stream.linear.gather @!p1 [hbm4b:s21+s15], $0x50, $0x38;
	[tilespmem:$0x1BE00] =	vst v63  }
0xd7: {  	s15 =	simm.s32 @!p0 $0x3  }
0xd8: {  	_ =	swait.ge @!p0 [sflag:s15], $0x2800  }
0xd9: {  	s20 =	simm.s32 @!p0 $0x5600;
	[sflag:s15] =	ssyncset.done @!p0 $0x0  }
0xda: {  	s19 =	simm.s32 @!p0 $0x400;
	[sflag:s15] =	ssyncadd.s32 @!p0 $0xFFFFD800;
	s15 =	simm.s32 @!p0 $0x50  }
0xdb: {  	[spmem:s18] =	stream.indirect.scatter.add.f32 @!p0 [tilespmem:s20], [sflag:$0x6], $0x80, s19, s15, $0xb8;
	[tilespmem:$0x1BE00] =	vst v63  }
0xdc: {  	s15 =	simm.s32 @!p0 $0x5  }
0xdd: {  	p1 =	sgt.u32 @!p0 s13, $0x7A;
	_ =	swait.ge @!p0 [sflag:s15], $0x2800  }
0xde: {  	p2 =	por p1, p0;
	[sflag:s15] =	ssyncset.done @!p0 $0x0  }
0xdf: {  	[sflag:s15] =	ssyncadd.s32 @!p0 $0xFFFFD800;
	s15 =	simm.s32 @!p2 $0xB  }
0xe0: {  	_ =	swait.ge @!p2 [sflag:s15], $0x50  }
0xe1: {  	[sflag:s15] =	ssyncset.done @!p2 $0x0  }
0xe2: {  	[sflag:s15] =	ssyncadd.s32 @!p2 $0xFFFFFFB0  }
0xe3: {  	_ =	swait.ge @!p2 [sflag:s15], $0x50  }
0xe4: {  	s19 =	simm.s32 @!p2 $0x200;
	[sflag:s15] =	ssyncset.done @!p2 $0x0  }
0xe5: {  	s20 =	simm.s32 @!p2 $0x2E00;
	[sflag:s15] =	ssyncadd.s32 @!p2 $0xFFFFFFB0;
	s15 =	simm.s32 @!p2 $0x50  }
0xe6: {  	[tilespmem:s20], [sflag:$0x2] =	stream.indirect.gather @!p2 [hbm4b:s17+s15], $0x80, s19, s15, $0xb8;
	[tilespmem:$0x1BE00] =	vst v63  }
0xe7: {  	p2 =	sgt.u32 @!p2 s13, $0x78  }
0xe8: {  	p1 =	por @!p0 p2, p1  }
.Ltmp7:
0xe9: {  	p0 =	por p1, p0;
	(pc) =	sbr.rel .LBB2_12-.Ltmp7, $4  }
0xea: {  	s15 =	simm.s32 @!p0 $0x0  }
0xeb: {  	[tilespmem:s15], [sflag:$0x7] =	stream.linear.gather @!p0 [hbm4b:s22+s15], $0x50, $0x38;
	[tilespmem:$0x1BE00] =	vst v63  }
0xec: {  	s19 =	simm.s32 @!p0 $0x300  }
0xed: {  	[tilespmem:s19], [sflag:$0x7] =	stream.linear.gather @!p0 [hbm4b:s21+s15], $0x50, $0x38;
	[tilespmem:$0x1BE00] =	vst v63  }
.LBB2_7:
0xee: {  	p0 =	seq.s32 s19, $0x3  }
.Ltmp8:
0xef: {  	_ = 	snop;
	(pc) =	sbr.rel @p0 .LBB2_11-.Ltmp8, $1  }
0xf0: {  	_ =	sdelay $0x3  }
0xf1: {  	p0 =	seq.s32 s19, $0x4  }
0xf2: {  	s15 =	simm.s32 @p0 $0x2  }
0xf3: {  	_ =	swait.ge @p0 [sflag:s15], $0x2800  }
0xf4: {  	s19 =	simm.s32 @p0 $0x500;
	[sflag:s15] =	ssyncset.done @p0 $0x0  }
0xf5: {  	s20 =	simm.s32 @p0 $0x2E00;
	[sflag:s15] =	ssyncadd.s32 @p0 $0xFFFFD800;
	s15 =	simm.s32 @p0 $0x50  }
0xf6: {  	[spmem:s18] =	stream.indirect.scatter.add.f32 @p0 [tilespmem:s20], [sflag:$0x5], $0x80, s19, s15, $0xb8;
	[tilespmem:$0x1BE00] =	vst v63  }
0xf7: {  	s15 =	simm.s32 @p0 $0x4  }
0xf8: {  	p1 =	sgt.u32 @p0 s13, $0x7A;
	_ =	swait.ge @p0 [sflag:s15], $0x2800  }
0xf9: {  	p2 =	por p1, !p0;
	[sflag:s15] =	ssyncset.done @p0 $0x0  }
0xfa: {  	[sflag:s15] =	ssyncadd.s32 @p0 $0xFFFFD800;
	s15 =	simm.s32 @!p2 $0x7  }
0xfb: {  	_ =	swait.ge @!p2 [sflag:s15], $0x50  }
0xfc: {  	[sflag:s15] =	ssyncset.done @!p2 $0x0  }
0xfd: {  	[sflag:s15] =	ssyncadd.s32 @!p2 $0xFFFFFFB0  }
0xfe: {  	_ =	swait.ge @!p2 [sflag:s15], $0x50  }
0xff: {  	s19 =	simm.s32 @!p2 $0x0;
	[sflag:s15] =	ssyncset.done @!p2 $0x0  }
0x100: {  	s20 =	simm.s32 @!p2 $0x600;
	[sflag:s15] =	ssyncadd.s32 @!p2 $0xFFFFFFB0;
	s15 =	simm.s32 @!p2 $0x50  }
0x101: {  	[tilespmem:s20], [sflag:$0x1] =	stream.indirect.gather @!p2 [hbm4b:s17+s15], $0x80, s19, s15, $0xb8;
	[tilespmem:$0x1BE00] =	vst v63  }
0x102: {  	p2 =	sgt.u32 @!p2 s13, $0x78  }
0x103: {  	p1 =	por @p0 p2, p1  }
0x104: {  	p1 =	por p1, !p0  }
0x105: {  	s15 =	simm.s32 @!p1 $0x0;
	s19 =	simm.s32 @!p1 $0x100  }
0x106: {  	[tilespmem:s19], [sflag:$0x9] =	stream.linear.gather @!p1 [hbm4b:s22+s15], $0x50, $0x38;
	[tilespmem:$0x1BE00] =	vst v63  }
0x107: {  	s19 =	simm.s32 @!p1 $0x400  }
0x108: {  	[tilespmem:s19], [sflag:$0x9] =	stream.linear.gather @!p1 [hbm4b:s21+s15], $0x50, $0x38;
	[tilespmem:$0x1BE00] =	vst v63  }
0x109: {  	s15 =	simm.s32 @!p0 $0x3  }
0x10a: {  	_ =	swait.ge @!p0 [sflag:s15], $0x2800  }
0x10b: {  	s20 =	simm.s32 @!p0 $0x5600;
	[sflag:s15] =	ssyncset.done @!p0 $0x0  }
0x10c: {  	s19 =	simm.s32 @!p0 $0x580;
	[sflag:s15] =	ssyncadd.s32 @!p0 $0xFFFFD800;
	s15 =	simm.s32 @!p0 $0x50  }
0x10d: {  	[spmem:s18] =	stream.indirect.scatter.add.f32 @!p0 [tilespmem:s20], [sflag:$0x6], $0x80, s19, s15, $0xb8;
	[tilespmem:$0x1BE00] =	vst v63  }
0x10e: {  	s15 =	simm.s32 @!p0 $0x5  }
0x10f: {  	p1 =	sgt.u32 @!p0 s13, $0x7A;
	_ =	swait.ge @!p0 [sflag:s15], $0x2800  }
0x110: {  	p2 =	por p1, p0;
	[sflag:s15] =	ssyncset.done @!p0 $0x0  }
0x111: {  	[sflag:s15] =	ssyncadd.s32 @!p0 $0xFFFFD800;
	s15 =	simm.s32 @!p2 $0x8  }
0x112: {  	_ =	swait.ge @!p2 [sflag:s15], $0x50  }
0x113: {  	[sflag:s15] =	ssyncset.done @!p2 $0x0  }
0x114: {  	[sflag:s15] =	ssyncadd.s32 @!p2 $0xFFFFFFB0  }
0x115: {  	_ =	swait.ge @!p2 [sflag:s15], $0x50  }
0x116: {  	s19 =	simm.s32 @!p2 $0x80;
	[sflag:s15] =	ssyncset.done @!p2 $0x0  }
0x117: {  	s20 =	simm.s32 @!p2 $0x2E00;
	[sflag:s15] =	ssyncadd.s32 @!p2 $0xFFFFFFB0;
	s15 =	simm.s32 @!p2 $0x50  }
0x118: {  	[tilespmem:s20], [sflag:$0x2] =	stream.indirect.gather @!p2 [hbm4b:s17+s15], $0x80, s19, s15, $0xb8;
	[tilespmem:$0x1BE00] =	vst v63  }
0x119: {  	p2 =	sgt.u32 @!p2 s13, $0x78  }
0x11a: {  	p1 =	por @!p0 p2, p1  }
.Ltmp9:
0x11b: {  	p0 =	por p1, p0;
	(pc) =	sbr.rel .LBB2_12-.Ltmp9, $4  }
0x11c: {  	s15 =	simm.s32 @!p0 $0x0;
	s19 =	simm.s32 @!p0 $0x180  }
0x11d: {  	[tilespmem:s19], [sflag:$0xA] =	stream.linear.gather @!p0 [hbm4b:s22+s15], $0x50, $0x38;
	[tilespmem:$0x1BE00] =	vst v63  }
0x11e: {  	s19 =	simm.s32 @!p0 $0x480  }
0x11f: {  	[tilespmem:s19], [sflag:$0xA] =	stream.linear.gather @!p0 [hbm4b:s21+s15], $0x50, $0x38;
	[tilespmem:$0x1BE00] =	vst v63  }
.LBB2_9:
0x120: {  	p0 =	seq.s32 s13, $0x0  }
0x121: {  	_ =	swait.ge [sflag:s8], $0x2800;
	p1 =	sgt.u32 @!p0 s13, $0x7A  }
0x122: {  	[sflag:s8] =	ssyncset.done $0x0;
	p1 =	por p0, !p1  }
.Ltmp10:
0x123: {  	s15 =	simm.s32 @!p0 $0x6;
	[sflag:s8] =	ssyncadd.s32 $0xFFFFD800;
	(pc) =	sbr.rel @!p1 .LBB2_12-.Ltmp10, $4  }
0x124: {  	[spmem:s18] =	stream.indirect.scatter.add.f32 [tilespmem:s1], [sflag:$0x4], $0x80, s3, s7, $0xb8;
	[tilespmem:$0x1BE00] =	vst v63  }
0x125: {  	_ =	swait.ge @!p0 [sflag:s15], $0x2800  }
0x126: {  	[sflag:s15] =	ssyncset.done @!p0 $0x0  }
0x127: {  	[sflag:s15] =	ssyncadd.s32 @!p0 $0xFFFFD800  }
0x128: {  	_ =	swait.ge [sflag:s9], $0x50  }
0x129: {  	[sflag:s9] =	ssyncset.done $0x0  }
0x12a: {  	[sflag:s9] =	ssyncadd.s32 $0xFFFFFFB0  }
0x12b: {  	_ =	swait.ge [sflag:s9], $0x50  }
0x12c: {  	[sflag:s9] =	ssyncset.done $0x0  }
0x12d: {  	[sflag:s9] =	ssyncadd.s32 $0xFFFFFFB0  }
0x12e: {  	[tilespmem:s10], [sflag:$0x3] =	stream.indirect.gather [hbm4b:s17+s7], $0x80, s5, s7, $0xb8;
	[tilespmem:$0x1BE00] =	vst v63  }
.Ltmp11:
0x12f: {  	p0 =	sgt.u32 s13, $0x78;
	(pc) =	sbr.rel .LBB2_12-.Ltmp11, $4  }
0x130: {  	s15 =	simm.s32 @!p0 $0x0;
	s19 =	simm.s32 @!p0 $0x200  }
0x131: {  	[tilespmem:s19], [sflag:$0xB] =	stream.linear.gather @!p0 [hbm4b:s22+s15], $0x50, $0x38;
	[tilespmem:$0x1BE00] =	vst v63  }
0x132: {  	s19 =	simm.s32 @!p0 $0x500  }
0x133: {  	[tilespmem:s19], [sflag:$0xB] =	stream.linear.gather @!p0 [hbm4b:s21+s15], $0x50, $0x38;
	[tilespmem:$0x1BE00] =	vst v63  }
.LBB2_14:
0x134: {  	_ =	sfence.sel $0x180000  }
0x135: {  	[bflag:$0x0] =	sbarrier.arrive $0xFFFF  }
0x136: {  	_ =	strace $0x9000004A  }
0x137: {  	s0 =	stileid.u32;
	[bflag:$0x2] =	sbarrier.arrive $0xFFFF  }
0x138: {  	p0 =	sne.s32 s0, $0x0;
	s0 =	rddreg [dreg:$0x3]  }
0x139: {  	s0 =	sadd.s32 @!p0 $0x100000, s0  }
0x13a: {  	[sflag:s0] =	ssyncadd.tile.s32 @!p0 $0x1;
	_ =	shalt  }
.Lfunc_end2:
_tile_overlayer_lowered:
.L_overlay_start_2:
0x13b: {  	(tag) =	ssettag $0x2  }
0x13c: {  	s0 =	rddreg [dreg:$0x0];
	s2 =	stileid.u32  }
0x13d: {  	s1 =	rddreg [dreg:$0x1];
	p0 =	sne.s32 s2, $0x0  }
0x13e: {  	s3 =	rddreg [dreg:$0x2];
	[bflag:$0x3] =	sbarrier.arrive $0xFFFF;
	s2 =	simm.s32 @!p0 $0x1C0D  }
0x13f: {  	[timem:s3], [sflag:s2] =	dma.local @!p0 [hbm:s0], s1  }
0x140: {  	s0 =	simm.s32 @!p0 $0xD  }
0x141: {  	_ =	swait.ge @!p0 [sflag:s0], s1  }
0x142: {  	s1 =	ssub.s32 @!p0 $0x0, s1;
	[sflag:s0] =	ssyncset.done @!p0 $0x0  }
0x143: {  	[sflag:s0] =	ssyncadd.s32 @!p0 s1  }
0x144: {  	[bflag:$0x3] =	sbarrier.arrive $0xFFFF  }
0x145: {  	_ =	shalt  }

</sc_bundles>
